<compile_context>
chip_gen: v7x
topology: tpu7x:2x2x1
jax: 0.10.2.dev20260603
libtpu: 0.0.44.dev20260713+nightly
codegen_flags: <defaults>
</compile_context>

<pallas_src>
import functools

import jax
import jax.numpy as jnp
from jax import lax
from jax.experimental import pallas as pl
from jax.experimental.pallas import tpu as pltpu
from jax.experimental.pallas import tpu_sc as plsc

NUM_OPERATIONS = 1000000
EMBED_DIM = 64
BATCH = 16384

NC = 2
NS = 16
NW = NC * NS
B_PER_W = BATCH // NW
CHUNK = 128
NCHUNK = B_PER_W // CHUNK
LANES = 16
VPR = EMBED_DIM // LANES


def _rsqrt_newton(x):
    i = lax.bitcast_convert_type(x, jnp.int32)
    i = jnp.int32(0x5F3759DF) - (i >> 1)
    y = lax.bitcast_convert_type(i, jnp.float32)
    for _ in range(3):
        y = y * (1.5 - 0.5 * x * y * y)
    return y


def _lane_sum(v):
    lanes = lax.iota(jnp.int32, LANES)
    for s in (8, 4, 2, 1):
        perm = (lanes + s) % LANES
        v = v + v.at[perm].get(mode="promise_in_bounds")
    return v


def _sc_body(table_hbm, idx_hbm, out_hbm, idx_v, rows_v, sem):
    wid = lax.axis_index("s") * NC + lax.axis_index("c")
    base = wid * B_PER_W

    pltpu.sync_copy(idx_hbm.at[pl.ds(base, B_PER_W)], idx_v)

    copies = [
        pltpu.async_copy(
            table_hbm.at[idx_v.at[pl.ds(j * CHUNK, CHUNK)]],
            rows_v.at[pl.ds(j * CHUNK, CHUNK)],
            sem,
        )
        for j in range(NCHUNK)
    ]
    for c in copies:
        c.wait()

    def row_body(i, carry):
        vs = [rows_v[i, pl.ds(k * LANES, LANES)] for k in range(VPR)]
        sq = vs[0] * vs[0]
        for k in range(1, VPR):
            sq = sq + vs[k] * vs[k]
        tot = _lane_sum(sq)
        tot = jnp.maximum(tot, jnp.float32(1e-30))
        inv = jnp.minimum(_rsqrt_newton(tot), jnp.float32(1e12))
        for k in range(VPR):
            rows_v[i, pl.ds(k * LANES, LANES)] = vs[k] * inv
        return carry

    lax.fori_loop(0, B_PER_W, row_body, 0, unroll=4)

    pltpu.sync_copy(rows_v, out_hbm.at[pl.ds(base, B_PER_W)])


@functools.lru_cache(maxsize=None)
def _build():
    mesh = plsc.VectorSubcoreMesh(
        core_axis_name="c", subcore_axis_name="s", num_cores=NC, num_subcores=NS
    )
    return pl.kernel(
        _sc_body,
        out_type=jax.ShapeDtypeStruct((BATCH, EMBED_DIM), jnp.float32),
        mesh=mesh,
        scratch_types=[
            pltpu.VMEM((B_PER_W,), jnp.int32),
            pltpu.VMEM((B_PER_W, EMBED_DIM), jnp.float32),
            pltpu.SemaphoreType.DMA,
        ],
        compiler_params=pltpu.CompilerParams(use_tc_tiling_on_sc=False),
    )


def kernel(operation_ids, table):
    idx = operation_ids.astype(jnp.int32)
    return _build()(table, idx)

# --- scband reference (transcript-rebuilt; emitter-appended) ---
"""Pipeline reference for scband-operation-embedding-77592879169866 (READ-ONLY COPY).

The authoritative reference and input builder live on the scoring server;
editing this copy changes nothing except your own understanding.
"""

import jax, jax.numpy as jnp
import numpy as np

NUM_OPERATIONS = 1000000
EMBED_DIM = 64
BATCH = 16384


def setup_inputs(seed: int = 0) -> dict:
    key = jax.random.key(seed)
    k_idx, k_tab = jax.random.split(key)
    operation_ids = jax.random.randint(k_idx, (BATCH,), 0, NUM_OPERATIONS, dtype=jnp.int64)
    # xavier_uniform init for embedding table [num_operations, embed_dim]
    bound = float(np.sqrt(6.0 / (NUM_OPERATIONS + EMBED_DIM)))
    table = jax.random.uniform(k_tab, (NUM_OPERATIONS, EMBED_DIM), dtype=jnp.float32, minval=-bound, maxval=bound)
    return {"operation_ids": operation_ids, "table": table}


def reference(operation_ids, table):
    # Embedding lookup (gather)
    emb = jnp.take(table, operation_ids, axis=0)
    # F.normalize(p=2, dim=1): x / max(||x||_2, eps), eps=1e-12
    norm = jnp.linalg.norm(emb, ord=2, axis=1, keepdims=True)
    emb = emb / jnp.maximum(norm, 1e-12)
    return emb

if __name__ == "__main__":
    import jax
    _d = setup_inputs()
    print(jax.jit(kernel)(*tuple(_d.values())))

</pallas_src>

<mosaic_0001>
#map = affine_map<(d0, d1) -> (0, 0)>
#map1 = affine_map<(d0, d1) -> (0)>
module attributes {stable_mosaic.version = 14 : i64} {
  func.func @_sc_body(%arg0: i32, %arg1: i32, %arg2: memref<1000000x64xf32, #tpu.memory_space<hbm>>, %arg3: memref<16384xi32, #tpu.memory_space<hbm>>, %arg4: memref<16384x64xf32, #tpu.memory_space<hbm>>, %arg5: memref<512xi32, #tpu.memory_space<vmem>>, %arg6: memref<512x64xf32, #tpu.memory_space<vmem>>, %arg7: memref<!tpu.dma_semaphore, #tpu.memory_space<semaphore_mem>>) attributes {dimension_semantics = [#tpu.dimension_semantics<core_parallel>, #tpu.dimension_semantics<subcore_parallel>], iteration_bounds = array<i64: 2, 16>, scalar_prefetch = 0 : i64, scratch_operands = 3 : i64, tpu.core_type = #tpu.core_type<sc_vector_subcore>, window_params = [{transform_indices = #map}, {transform_indices = #map1}, {transform_indices = #map}]} {
    %mul3A = arith.constant 2 : i32
    %mul3A_0 = arith.muli %arg1, %mul3A : i32
    %add3A = arith.addi %mul3A_0, %arg0 : i32
    %mul3A_1 = arith.constant 512 : i32
    %mul3A_2 = arith.muli %add3A, %mul3A_1 : i32
    "tpu.region"() ({
      %run_scoped3A = tpu.sem_alloc : memref<!tpu.dma_semaphore, #tpu.memory_space<semaphore_mem>>
      %dma_start3A_70 = tpu.memref_slice %arg3[%mul3A_2] : memref<16384xi32, #tpu.memory_space<hbm>> -> memref<512xi32, #tpu.memory_space<hbm>>
      %dma_start3A_71 = tpu.memref_slice %arg3[%mul3A_2] : memref<16384xi32, #tpu.memory_space<hbm>> -> memref<512xi32, #tpu.memory_space<hbm>>
      tpu.enqueue_dma source(%dma_start3A_71 : memref<512xi32, #tpu.memory_space<hbm>>) target(%arg5 : memref<512xi32, #tpu.memory_space<vmem>>) target_semaphore(%run_scoped3A : memref<!tpu.dma_semaphore, #tpu.memory_space<semaphore_mem>>)
      %dma_wait3A_72 = tpu.memref_slice %arg3[%mul3A_2] : memref<16384xi32, #tpu.memory_space<hbm>> -> memref<512xi32, #tpu.memory_space<hbm>>
      %dma_wait3A_73 = tpu.memref_slice %arg3[%mul3A_2] : memref<16384xi32, #tpu.memory_space<hbm>> -> memref<512xi32, #tpu.memory_space<hbm>>
      tpu.wait_dma2 semaphore(%run_scoped3A : memref<!tpu.dma_semaphore, #tpu.memory_space<semaphore_mem>>) src(%dma_wait3A_73 : memref<512xi32, #tpu.memory_space<hbm>>) dst(%arg5 : memref<512xi32, #tpu.memory_space<vmem>>)
      tpu.yield
    }) : () -> ()
    %dma_start3A = arith.constant 0 : i32
    %dma_start3A_3 = arith.constant 0 : i32
    %dma_start3A_4 = tpu.memref_slice %arg6[%dma_start3A, %dma_start3A_3] : memref<512x64xf32, #tpu.memory_space<vmem>> -> memref<128x64xf32, #tpu.memory_space<vmem>>
    %dma_start3A_5 = arith.constant 0 : i32
    %dma_start3A_6 = tpu.memref_slice %arg5[%dma_start3A_5] : memref<512xi32, #tpu.memory_space<vmem>> -> memref<128xi32, #tpu.memory_space<vmem>>
    %dma_start3A_7 = arith.constant 0 : i32
    %dma_start3A_8 = arith.constant 0 : i32
    %dma_start3A_9 = tpu.memref_slice %arg2[%dma_start3A_7, %dma_start3A_8] : memref<1000000x64xf32, #tpu.memory_space<hbm>> -> memref<1000000x64xf32, #tpu.memory_space<hbm>>
    tpu.enqueue_indirect_dma source(%dma_start3A_9 : memref<1000000x64xf32, #tpu.memory_space<hbm>>) target(%dma_start3A_4 : memref<128x64xf32, #tpu.memory_space<vmem>>) offsets(%dma_start3A_6 : memref<128xi32, #tpu.memory_space<vmem>>) semaphore(%arg7 : memref<!tpu.dma_semaphore, #tpu.memory_space<semaphore_mem>>)
    %dma_start3A_10 = arith.constant 128 : i32
    %dma_start3A_11 = arith.constant 0 : i32
    %dma_start3A_12 = tpu.memref_slice %arg6[%dma_start3A_10, %dma_start3A_11] : memref<512x64xf32, #tpu.memory_space<vmem>> -> memref<128x64xf32, #tpu.memory_space<vmem>>
    %dma_start3A_13 = arith.constant 128 : i32
    %dma_start3A_14 = tpu.memref_slice %arg5[%dma_start3A_13] : memref<512xi32, #tpu.memory_space<vmem>> -> memref<128xi32, #tpu.memory_space<vmem>>
    %dma_start3A_15 = arith.constant 0 : i32
    %dma_start3A_16 = arith.constant 0 : i32
    %dma_start3A_17 = tpu.memref_slice %arg2[%dma_start3A_15, %dma_start3A_16] : memref<1000000x64xf32, #tpu.memory_space<hbm>> -> memref<1000000x64xf32, #tpu.memory_space<hbm>>
    tpu.enqueue_indirect_dma source(%dma_start3A_17 : memref<1000000x64xf32, #tpu.memory_space<hbm>>) target(%dma_start3A_12 : memref<128x64xf32, #tpu.memory_space<vmem>>) offsets(%dma_start3A_14 : memref<128xi32, #tpu.memory_space<vmem>>) semaphore(%arg7 : memref<!tpu.dma_semaphore, #tpu.memory_space<semaphore_mem>>)
    %dma_start3A_18 = arith.constant 256 : i32
    %dma_start3A_19 = arith.constant 0 : i32
    %dma_start3A_20 = tpu.memref_slice %arg6[%dma_start3A_18, %dma_start3A_19] : memref<512x64xf32, #tpu.memory_space<vmem>> -> memref<128x64xf32, #tpu.memory_space<vmem>>
    %dma_start3A_21 = arith.constant 256 : i32
    %dma_start3A_22 = tpu.memref_slice %arg5[%dma_start3A_21] : memref<512xi32, #tpu.memory_space<vmem>> -> memref<128xi32, #tpu.memory_space<vmem>>
    %dma_start3A_23 = arith.constant 0 : i32
    %dma_start3A_24 = arith.constant 0 : i32
    %dma_start3A_25 = tpu.memref_slice %arg2[%dma_start3A_23, %dma_start3A_24] : memref<1000000x64xf32, #tpu.memory_space<hbm>> -> memref<1000000x64xf32, #tpu.memory_space<hbm>>
    tpu.enqueue_indirect_dma source(%dma_start3A_25 : memref<1000000x64xf32, #tpu.memory_space<hbm>>) target(%dma_start3A_20 : memref<128x64xf32, #tpu.memory_space<vmem>>) offsets(%dma_start3A_22 : memref<128xi32, #tpu.memory_space<vmem>>) semaphore(%arg7 : memref<!tpu.dma_semaphore, #tpu.memory_space<semaphore_mem>>)
    %dma_start3A_26 = arith.constant 384 : i32
    %dma_start3A_27 = arith.constant 0 : i32
    %dma_start3A_28 = tpu.memref_slice %arg6[%dma_start3A_26, %dma_start3A_27] : memref<512x64xf32, #tpu.memory_space<vmem>> -> memref<128x64xf32, #tpu.memory_space<vmem>>
    %dma_start3A_29 = arith.constant 384 : i32
    %dma_start3A_30 = tpu.memref_slice %arg5[%dma_start3A_29] : memref<512xi32, #tpu.memory_space<vmem>> -> memref<128xi32, #tpu.memory_space<vmem>>
    %dma_start3A_31 = arith.constant 0 : i32
    %dma_start3A_32 = arith.constant 0 : i32
    %dma_start3A_33 = tpu.memref_slice %arg2[%dma_start3A_31, %dma_start3A_32] : memref<1000000x64xf32, #tpu.memory_space<hbm>> -> memref<1000000x64xf32, #tpu.memory_space<hbm>>
    tpu.enqueue_indirect_dma source(%dma_start3A_33 : memref<1000000x64xf32, #tpu.memory_space<hbm>>) target(%dma_start3A_28 : memref<128x64xf32, #tpu.memory_space<vmem>>) offsets(%dma_start3A_30 : memref<128xi32, #tpu.memory_space<vmem>>) semaphore(%arg7 : memref<!tpu.dma_semaphore, #tpu.memory_space<semaphore_mem>>)
    %dma_wait3A = arith.constant 0 : i32
    %dma_wait3A_34 = arith.constant 0 : i32
    %dma_wait3A_35 = tpu.memref_slice %arg6[%dma_wait3A, %dma_wait3A_34] : memref<512x64xf32, #tpu.memory_space<vmem>> -> memref<128x64xf32, #tpu.memory_space<vmem>>
    %dma_wait3A_36 = arith.constant 0 : i32
    %dma_wait3A_37 = tpu.memref_slice %arg5[%dma_wait3A_36] : memref<512xi32, #tpu.memory_space<vmem>> -> memref<128xi32, #tpu.memory_space<vmem>>
    %dma_wait3A_38 = arith.constant 0 : i32
    %dma_wait3A_39 = arith.constant 0 : i32
    %dma_wait3A_40 = tpu.memref_slice %arg2[%dma_wait3A_38, %dma_wait3A_39] : memref<1000000x64xf32, #tpu.memory_space<hbm>> -> memref<1000000x64xf32, #tpu.memory_space<hbm>>
    tpu.wait_indirect_dma semaphore(%arg7 : memref<!tpu.dma_semaphore, #tpu.memory_space<semaphore_mem>>) src(%dma_wait3A_40 : memref<1000000x64xf32, #tpu.memory_space<hbm>>) dst(%dma_wait3A_35 : memref<128x64xf32, #tpu.memory_space<vmem>>)
    %dma_wait3A_41 = arith.constant 128 : i32
    %dma_wait3A_42 = arith.constant 0 : i32
    %dma_wait3A_43 = tpu.memref_slice %arg6[%dma_wait3A_41, %dma_wait3A_42] : memref<512x64xf32, #tpu.memory_space<vmem>> -> memref<128x64xf32, #tpu.memory_space<vmem>>
    %dma_wait3A_44 = arith.constant 128 : i32
    %dma_wait3A_45 = tpu.memref_slice %arg5[%dma_wait3A_44] : memref<512xi32, #tpu.memory_space<vmem>> -> memref<128xi32, #tpu.memory_space<vmem>>
    %dma_wait3A_46 = arith.constant 0 : i32
    %dma_wait3A_47 = arith.constant 0 : i32
    %dma_wait3A_48 = tpu.memref_slice %arg2[%dma_wait3A_46, %dma_wait3A_47] : memref<1000000x64xf32, #tpu.memory_space<hbm>> -> memref<1000000x64xf32, #tpu.memory_space<hbm>>
    tpu.wait_indirect_dma semaphore(%arg7 : memref<!tpu.dma_semaphore, #tpu.memory_space<semaphore_mem>>) src(%dma_wait3A_48 : memref<1000000x64xf32, #tpu.memory_space<hbm>>) dst(%dma_wait3A_43 : memref<128x64xf32, #tpu.memory_space<vmem>>)
    %dma_wait3A_49 = arith.constant 256 : i32
    %dma_wait3A_50 = arith.constant 0 : i32
    %dma_wait3A_51 = tpu.memref_slice %arg6[%dma_wait3A_49, %dma_wait3A_50] : memref<512x64xf32, #tpu.memory_space<vmem>> -> memref<128x64xf32, #tpu.memory_space<vmem>>
    %dma_wait3A_52 = arith.constant 256 : i32
    %dma_wait3A_53 = tpu.memref_slice %arg5[%dma_wait3A_52] : memref<512xi32, #tpu.memory_space<vmem>> -> memref<128xi32, #tpu.memory_space<vmem>>
    %dma_wait3A_54 = arith.constant 0 : i32
    %dma_wait3A_55 = arith.constant 0 : i32
    %dma_wait3A_56 = tpu.memref_slice %arg2[%dma_wait3A_54, %dma_wait3A_55] : memref<1000000x64xf32, #tpu.memory_space<hbm>> -> memref<1000000x64xf32, #tpu.memory_space<hbm>>
    tpu.wait_indirect_dma semaphore(%arg7 : memref<!tpu.dma_semaphore, #tpu.memory_space<semaphore_mem>>) src(%dma_wait3A_56 : memref<1000000x64xf32, #tpu.memory_space<hbm>>) dst(%dma_wait3A_51 : memref<128x64xf32, #tpu.memory_space<vmem>>)
    %dma_wait3A_57 = arith.constant 384 : i32
    %dma_wait3A_58 = arith.constant 0 : i32
    %dma_wait3A_59 = tpu.memref_slice %arg6[%dma_wait3A_57, %dma_wait3A_58] : memref<512x64xf32, #tpu.memory_space<vmem>> -> memref<128x64xf32, #tpu.memory_space<vmem>>
    %dma_wait3A_60 = arith.constant 384 : i32
    %dma_wait3A_61 = tpu.memref_slice %arg5[%dma_wait3A_60] : memref<512xi32, #tpu.memory_space<vmem>> -> memref<128xi32, #tpu.memory_space<vmem>>
    %dma_wait3A_62 = arith.constant 0 : i32
    %dma_wait3A_63 = arith.constant 0 : i32
    %dma_wait3A_64 = tpu.memref_slice %arg2[%dma_wait3A_62, %dma_wait3A_63] : memref<1000000x64xf32, #tpu.memory_space<hbm>> -> memref<1000000x64xf32, #tpu.memory_space<hbm>>
    tpu.wait_indirect_dma semaphore(%arg7 : memref<!tpu.dma_semaphore, #tpu.memory_space<semaphore_mem>>) src(%dma_wait3A_64 : memref<1000000x64xf32, #tpu.memory_space<hbm>>) dst(%dma_wait3A_59 : memref<128x64xf32, #tpu.memory_space<vmem>>)
    %scan3A = arith.constant 0 : i32
    %scan3A_65 = arith.constant 0 : i32
    %scan3A_66 = arith.constant 512 : i32
    %scan3A_67 = arith.addi %scan3A_65, %scan3A_66 : i32
    %scan3A_68 = arith.constant 4 : i32
    scf.for %scan3A_70 = %scan3A_65 to %scan3A_67 step %scan3A_68  : i32 {
      %get3A = arith.index_cast %scan3A_70 : i32 to index
      %get3A_71 = arith.constant 0 : index
      %get3A_72 = tpu.vector_load %arg6[%get3A, %get3A_71] {strides = array<i32>} : memref<512x64xf32, #tpu.memory_space<vmem>>, vector<1x16xf32>,
      %get3A_73 = vector.shape_cast %get3A_72 : vector<1x16xf32> to vector<16xf32>
      %get3A_74 = arith.index_cast %scan3A_70 : i32 to index
      %get3A_75 = arith.constant 16 : index
      %get3A_76 = tpu.vector_load %arg6[%get3A_74, %get3A_75] {strides = array<i32>} : memref<512x64xf32, #tpu.memory_space<vmem>>, vector<1x16xf32>,
      %get3A_77 = vector.shape_cast %get3A_76 : vector<1x16xf32> to vector<16xf32>
      %get3A_78 = arith.index_cast %scan3A_70 : i32 to index
      %get3A_79 = arith.constant 32 : index
      %get3A_80 = tpu.vector_load %arg6[%get3A_78, %get3A_79] {strides = array<i32>} : memref<512x64xf32, #tpu.memory_space<vmem>>, vector<1x16xf32>,
      %get3A_81 = vector.shape_cast %get3A_80 : vector<1x16xf32> to vector<16xf32>
      %get3A_82 = arith.index_cast %scan3A_70 : i32 to index
      %get3A_83 = arith.constant 48 : index
      %get3A_84 = tpu.vector_load %arg6[%get3A_82, %get3A_83] {strides = array<i32>} : memref<512x64xf32, #tpu.memory_space<vmem>>, vector<1x16xf32>,
      %get3A_85 = vector.shape_cast %get3A_84 : vector<1x16xf32> to vector<16xf32>
      %mul3A_86 = arith.mulf %get3A_73, %get3A_73 : vector<16xf32>
      %mul3A_87 = arith.mulf %get3A_77, %get3A_77 : vector<16xf32>
      %add3A_88 = arith.addf %mul3A_86, %mul3A_87 : vector<16xf32>
      %mul3A_89 = arith.mulf %get3A_81, %get3A_81 : vector<16xf32>
      %add3A_90 = arith.addf %add3A_88, %mul3A_89 : vector<16xf32>
      %mul3A_91 = arith.mulf %get3A_85, %get3A_85 : vector<16xf32>
      %add3A_92 = arith.addf %add3A_90, %mul3A_91 : vector<16xf32>
      %iota3A = tpu.iota {dimensions = array<i32: 0>} : vector<16xi32>
      %add3A_93 = arith.constant 8 : i32
      %add3A_94 = vector.broadcast %add3A_93 : i32 to vector<16xi32>
      %add3A_95 = arith.addi %iota3A, %add3A_94 : vector<16xi32>
      %jit3A = arith.constant 16 : i32
      %eq3A = arith.constant 0 : i32
      %eq3A_96 = arith.cmpi eq, %jit3A, %eq3A : i32
      %jit3A_97 = arith.constant 1 : i32
      %select_n3A = arith.select %eq3A_96, %jit3A_97, %jit3A : i32
      %rem3A = vector.broadcast %select_n3A : i32 to vector<16xi32>
      %rem3A_98 = arith.remsi %add3A_95, %rem3A : vector<16xi32>
      %ne3A = arith.constant 0 : i32
      %ne3A_99 = vector.broadcast %ne3A : i32 to vector<16xi32>
      %ne3A_100 = arith.cmpi ne, %rem3A_98, %ne3A_99 : vector<16xi32>
      %lt3A = arith.constant 0 : i32
      %lt3A_101 = vector.broadcast %lt3A : i32 to vector<16xi32>
      %lt3A_102 = arith.cmpi slt, %rem3A_98, %lt3A_101 : vector<16xi32>
      %lt3A_103 = arith.constant 0 : i32
      %lt3A_104 = arith.cmpi slt, %select_n3A, %lt3A_103 : i32
      %ne3A_105 = vector.broadcast %lt3A_104 : i1 to vector<16xi1>
      %ne3A_106 = vector.broadcast %ne3A_105 : vector<16xi1> to vector<16xi1>
      %ne3A_107 = arith.xori %lt3A_102, %ne3A_106 : vector<16xi1>
      %and3A = arith.andi %ne3A_107, %ne3A_100 : vector<16xi1>
      %add3A_108 = vector.broadcast %select_n3A : i32 to vector<16xi32>
      %add3A_109 = arith.addi %rem3A_98, %add3A_108 : vector<16xi32>
      %select_n3A_110 = arith.select %and3A, %add3A_109, %rem3A_98 : vector<16xi1>, vector<16xi32>
      %lt3A_111 = arith.constant 0 : i32
      %lt3A_112 = vector.broadcast %lt3A_111 : i32 to vector<16xi32>
      %lt3A_113 = arith.cmpi slt, %select_n3A_110, %lt3A_112 : vector<16xi32>
      %add3A_114 = arith.constant 16 : i32
      %add3A_115 = vector.broadcast %add3A_114 : i32 to vector<16xi32>
      %add3A_116 = arith.addi %select_n3A_110, %add3A_115 : vector<16xi32>
      %select_n3A_117 = arith.select %lt3A_113, %add3A_116, %select_n3A_110 : vector<16xi1>, vector<16xi32>
      %broadcast_in_dim3A = vector.shape_cast %select_n3A_117 : vector<16xi32> to vector<16x1xi32>
      %gather3A = vector.shape_cast %broadcast_in_dim3A : vector<16x1xi32> to vector<16xi32>
      %gather3A_118 = tpu.dynamic_gather %add3A_92[%gather3A] in [0] : vector<16xf32>, vector<16xi32> -> vector<16xf32>
      %add3A_119 = arith.addf %add3A_92, %gather3A_118 : vector<16xf32>
      %add3A_120 = arith.constant 4 : i32
      %add3A_121 = vector.broadcast %add3A_120 : i32 to vector<16xi32>
      %add3A_122 = arith.addi %iota3A, %add3A_121 : vector<16xi32>
      %jit3A_123 = arith.constant 16 : i32
      %eq3A_124 = arith.constant 0 : i32
      %eq3A_125 = arith.cmpi eq, %jit3A_123, %eq3A_124 : i32
      %jit3A_126 = arith.constant 1 : i32
      %select_n3A_127 = arith.select %eq3A_125, %jit3A_126, %jit3A_123 : i32
      %rem3A_128 = vector.broadcast %select_n3A_127 : i32 to vector<16xi32>
      %rem3A_129 = arith.remsi %add3A_122, %rem3A_128 : vector<16xi32>
      %ne3A_130 = arith.constant 0 : i32
      %ne3A_131 = vector.broadcast %ne3A_130 : i32 to vector<16xi32>
      %ne3A_132 = arith.cmpi ne, %rem3A_129, %ne3A_131 : vector<16xi32>
      %lt3A_133 = arith.constant 0 : i32
      %lt3A_134 = vector.broadcast %lt3A_133 : i32 to vector<16xi32>
      %lt3A_135 = arith.cmpi slt, %rem3A_129, %lt3A_134 : vector<16xi32>
      %lt3A_136 = arith.constant 0 : i32
      %lt3A_137 = arith.cmpi slt, %select_n3A_127, %lt3A_136 : i32
      %ne3A_138 = vector.broadcast %lt3A_137 : i1 to vector<16xi1>
      %ne3A_139 = vector.broadcast %ne3A_138 : vector<16xi1> to vector<16xi1>
      %ne3A_140 = arith.xori %lt3A_135, %ne3A_139 : vector<16xi1>
      %and3A_141 = arith.andi %ne3A_140, %ne3A_132 : vector<16xi1>
      %add3A_142 = vector.broadcast %select_n3A_127 : i32 to vector<16xi32>
      %add3A_143 = arith.addi %rem3A_129, %add3A_142 : vector<16xi32>
      %select_n3A_144 = arith.select %and3A_141, %add3A_143, %rem3A_129 : vector<16xi1>, vector<16xi32>
      %lt3A_145 = arith.constant 0 : i32
      %lt3A_146 = vector.broadcast %lt3A_145 : i32 to vector<16xi32>
      %lt3A_147 = arith.cmpi slt, %select_n3A_144, %lt3A_146 : vector<16xi32>
      %add3A_148 = arith.constant 16 : i32
      %add3A_149 = vector.broadcast %add3A_148 : i32 to vector<16xi32>
      %add3A_150 = arith.addi %select_n3A_144, %add3A_149 : vector<16xi32>
      %select_n3A_151 = arith.select %lt3A_147, %add3A_150, %select_n3A_144 : vector<16xi1>, vector<16xi32>
      %broadcast_in_dim3A_152 = vector.shape_cast %select_n3A_151 : vector<16xi32> to vector<16x1xi32>
      %gather3A_153 = vector.shape_cast %broadcast_in_dim3A_152 : vector<16x1xi32> to vector<16xi32>
      %gather3A_154 = tpu.dynamic_gather %add3A_119[%gather3A_153] in [0] : vector<16xf32>, vector<16xi32> -> vector<16xf32>
      %add3A_155 = arith.addf %add3A_119, %gather3A_154 : vector<16xf32>
      %add3A_156 = arith.constant 2 : i32
      %add3A_157 = vector.broadcast %add3A_156 : i32 to vector<16xi32>
      %add3A_158 = arith.addi %iota3A, %add3A_157 : vector<16xi32>
      %jit3A_159 = arith.constant 16 : i32
      %eq3A_160 = arith.constant 0 : i32
      %eq3A_161 = arith.cmpi eq, %jit3A_159, %eq3A_160 : i32
      %jit3A_162 = arith.constant 1 : i32
      %select_n3A_163 = arith.select %eq3A_161, %jit3A_162, %jit3A_159 : i32
      %rem3A_164 = vector.broadcast %select_n3A_163 : i32 to vector<16xi32>
      %rem3A_165 = arith.remsi %add3A_158, %rem3A_164 : vector<16xi32>
      %ne3A_166 = arith.constant 0 : i32
      %ne3A_167 = vector.broadcast %ne3A_166 : i32 to vector<16xi32>
      %ne3A_168 = arith.cmpi ne, %rem3A_165, %ne3A_167 : vector<16xi32>
      %lt3A_169 = arith.constant 0 : i32
      %lt3A_170 = vector.broadcast %lt3A_169 : i32 to vector<16xi32>
      %lt3A_171 = arith.cmpi slt, %rem3A_165, %lt3A_170 : vector<16xi32>
      %lt3A_172 = arith.constant 0 : i32
      %lt3A_173 = arith.cmpi slt, %select_n3A_163, %lt3A_172 : i32
      %ne3A_174 = vector.broadcast %lt3A_173 : i1 to vector<16xi1>
      %ne3A_175 = vector.broadcast %ne3A_174 : vector<16xi1> to vector<16xi1>
      %ne3A_176 = arith.xori %lt3A_171, %ne3A_175 : vector<16xi1>
      %and3A_177 = arith.andi %ne3A_176, %ne3A_168 : vector<16xi1>
      %add3A_178 = vector.broadcast %select_n3A_163 : i32 to vector<16xi32>
      %add3A_179 = arith.addi %rem3A_165, %add3A_178 : vector<16xi32>
      %select_n3A_180 = arith.select %and3A_177, %add3A_179, %rem3A_165 : vector<16xi1>, vector<16xi32>
      %lt3A_181 = arith.constant 0 : i32
      %lt3A_182 = vector.broadcast %lt3A_181 : i32 to vector<16xi32>
      %lt3A_183 = arith.cmpi slt, %select_n3A_180, %lt3A_182 : vector<16xi32>
      %add3A_184 = arith.constant 16 : i32
      %add3A_185 = vector.broadcast %add3A_184 : i32 to vector<16xi32>
      %add3A_186 = arith.addi %select_n3A_180, %add3A_185 : vector<16xi32>
      %select_n3A_187 = arith.select %lt3A_183, %add3A_186, %select_n3A_180 : vector<16xi1>, vector<16xi32>
      %broadcast_in_dim3A_188 = vector.shape_cast %select_n3A_187 : vector<16xi32> to vector<16x1xi32>
      %gather3A_189 = vector.shape_cast %broadcast_in_dim3A_188 : vector<16x1xi32> to vector<16xi32>
      %gather3A_190 = tpu.dynamic_gather %add3A_155[%gather3A_189] in [0] : vector<16xf32>, vector<16xi32> -> vector<16xf32>
      %add3A_191 = arith.addf %add3A_155, %gather3A_190 : vector<16xf32>
      %add3A_192 = arith.constant 1 : i32
      %add3A_193 = vector.broadcast %add3A_192 : i32 to vector<16xi32>
      %add3A_194 = arith.addi %iota3A, %add3A_193 : vector<16xi32>
      %jit3A_195 = arith.constant 16 : i32
      %eq3A_196 = arith.constant 0 : i32
      %eq3A_197 = arith.cmpi eq, %jit3A_195, %eq3A_196 : i32
      %jit3A_198 = arith.constant 1 : i32
      %select_n3A_199 = arith.select %eq3A_197, %jit3A_198, %jit3A_195 : i32
      %rem3A_200 = vector.broadcast %select_n3A_199 : i32 to vector<16xi32>
      %rem3A_201 = arith.remsi %add3A_194, %rem3A_200 : vector<16xi32>
      %ne3A_202 = arith.constant 0 : i32
      %ne3A_203 = vector.broadcast %ne3A_202 : i32 to vector<16xi32>
      %ne3A_204 = arith.cmpi ne, %rem3A_201, %ne3A_203 : vector<16xi32>
      %lt3A_205 = arith.constant 0 : i32
      %lt3A_206 = vector.broadcast %lt3A_205 : i32 to vector<16xi32>
      %lt3A_207 = arith.cmpi slt, %rem3A_201, %lt3A_206 : vector<16xi32>
      %lt3A_208 = arith.constant 0 : i32
      %lt3A_209 = arith.cmpi slt, %select_n3A_199, %lt3A_208 : i32
      %ne3A_210 = vector.broadcast %lt3A_209 : i1 to vector<16xi1>
      %ne3A_211 = vector.broadcast %ne3A_210 : vector<16xi1> to vector<16xi1>
      %ne3A_212 = arith.xori %lt3A_207, %ne3A_211 : vector<16xi1>
      %and3A_213 = arith.andi %ne3A_212, %ne3A_204 : vector<16xi1>
      %add3A_214 = vector.broadcast %select_n3A_199 : i32 to vector<16xi32>
      %add3A_215 = arith.addi %rem3A_201, %add3A_214 : vector<16xi32>
      %select_n3A_216 = arith.select %and3A_213, %add3A_215, %rem3A_201 : vector<16xi1>, vector<16xi32>
      %lt3A_217 = arith.constant 0 : i32
      %lt3A_218 = vector.broadcast %lt3A_217 : i32 to vector<16xi32>
      %lt3A_219 = arith.cmpi slt, %select_n3A_216, %lt3A_218 : vector<16xi32>
      %add3A_220 = arith.constant 16 : i32
      %add3A_221 = vector.broadcast %add3A_220 : i32 to vector<16xi32>
      %add3A_222 = arith.addi %select_n3A_216, %add3A_221 : vector<16xi32>
      %select_n3A_223 = arith.select %lt3A_219, %add3A_222, %select_n3A_216 : vector<16xi1>, vector<16xi32>
      %broadcast_in_dim3A_224 = vector.shape_cast %select_n3A_223 : vector<16xi32> to vector<16x1xi32>
      %gather3A_225 = vector.shape_cast %broadcast_in_dim3A_224 : vector<16x1xi32> to vector<16xi32>
      %gather3A_226 = tpu.dynamic_gather %add3A_191[%gather3A_225] in [0] : vector<16xf32>, vector<16xi32> -> vector<16xf32>
      %add3A_227 = arith.addf %add3A_191, %gather3A_226 : vector<16xf32>
      %max3A = arith.constant 1.000000e-30 : f32
      %max3A_228 = vector.broadcast %max3A : f32 to vector<16xf32>
      %max3A_229 = arith.maximumf %add3A_227, %max3A_228 : vector<16xf32>
      %bitcast_convert_type3A = tpu.bitcast %max3A_229 : vector<16xf32> -> vector<16xi32>
      %shift_right_arithmetic3A = arith.constant 1 : i32
      %shift_right_arithmetic3A_230 = vector.broadcast %shift_right_arithmetic3A : i32 to vector<16xi32>
      %shift_right_arithmetic3A_231 = arith.shrsi %bitcast_convert_type3A, %shift_right_arithmetic3A_230 : vector<16xi32>
      %sub3A = arith.constant 1597463007 : i32
      %sub3A_232 = vector.broadcast %sub3A : i32 to vector<16xi32>
      %sub3A_233 = arith.subi %sub3A_232, %shift_right_arithmetic3A_231 : vector<16xi32>
      %bitcast_convert_type3A_234 = tpu.bitcast %sub3A_233 : vector<16xi32> -> vector<16xf32>
      %mul3A_235 = arith.constant 5.000000e-01 : f32
      %mul3A_236 = vector.broadcast %mul3A_235 : f32 to vector<16xf32>
      %mul3A_237 = arith.mulf %mul3A_236, %max3A_229 : vector<16xf32>
      %mul3A_238 = arith.mulf %mul3A_237, %bitcast_convert_type3A_234 : vector<16xf32>
      %mul3A_239 = arith.mulf %mul3A_238, %bitcast_convert_type3A_234 : vector<16xf32>
      %sub3A_240 = arith.constant 1.500000e+00 : f32
      %sub3A_241 = vector.broadcast %sub3A_240 : f32 to vector<16xf32>
      %sub3A_242 = arith.subf %sub3A_241, %mul3A_239 : vector<16xf32>
      %mul3A_243 = arith.mulf %bitcast_convert_type3A_234, %sub3A_242 : vector<16xf32>
      %mul3A_244 = arith.constant 5.000000e-01 : f32
      %mul3A_245 = vector.broadcast %mul3A_244 : f32 to vector<16xf32>
      %mul3A_246 = arith.mulf %mul3A_245, %max3A_229 : vector<16xf32>
      %mul3A_247 = arith.mulf %mul3A_246, %mul3A_243 : vector<16xf32>
      %mul3A_248 = arith.mulf %mul3A_247, %mul3A_243 : vector<16xf32>
      %sub3A_249 = arith.constant 1.500000e+00 : f32
      %sub3A_250 = vector.broadcast %sub3A_249 : f32 to vector<16xf32>
      %sub3A_251 = arith.subf %sub3A_250, %mul3A_248 : vector<16xf32>
      %mul3A_252 = arith.mulf %mul3A_243, %sub3A_251 : vector<16xf32>
      %mul3A_253 = arith.constant 5.000000e-01 : f32
      %mul3A_254 = vector.broadcast %mul3A_253 : f32 to vector<16xf32>
      %mul3A_255 = arith.mulf %mul3A_254, %max3A_229 : vector<16xf32>
      %mul3A_256 = arith.mulf %mul3A_255, %mul3A_252 : vector<16xf32>
      %mul3A_257 = arith.mulf %mul3A_256, %mul3A_252 : vector<16xf32>
      %sub3A_258 = arith.constant 1.500000e+00 : f32
      %sub3A_259 = vector.broadcast %sub3A_258 : f32 to vector<16xf32>
      %sub3A_260 = arith.subf %sub3A_259, %mul3A_257 : vector<16xf32>
      %mul3A_261 = arith.mulf %mul3A_252, %sub3A_260 : vector<16xf32>
      %min3A = arith.constant 9.99999995E+11 : f32
      %min3A_262 = vector.broadcast %min3A : f32 to vector<16xf32>
      %min3A_263 = arith.minimumf %mul3A_261, %min3A_262 : vector<16xf32>
      %mul3A_264 = arith.mulf %get3A_73, %min3A_263 : vector<16xf32>
      %swap3A = arith.index_cast %scan3A_70 : i32 to index
      %swap3A_265 = arith.constant 0 : index
      %swap3A_266 = tpu.vector_load %arg6[%swap3A, %swap3A_265] {strides = array<i32>} : memref<512x64xf32, #tpu.memory_space<vmem>>, vector<1x16xf32>,
      %swap3A_267 = vector.shape_cast %swap3A_266 : vector<1x16xf32> to vector<16xf32>
      %swap3A_268 = vector.shape_cast %mul3A_264 : vector<16xf32> to vector<1x16xf32>
      tpu.vector_store %arg6[%swap3A, %swap3A_265], %swap3A_268 {strides = array<i32>} : memref<512x64xf32, #tpu.memory_space<vmem>>, vector<1x16xf32>,
      %mul3A_269 = arith.mulf %get3A_77, %min3A_263 : vector<16xf32>
      %swap3A_270 = arith.index_cast %scan3A_70 : i32 to index
      %swap3A_271 = arith.constant 16 : index
      %swap3A_272 = tpu.vector_load %arg6[%swap3A_270, %swap3A_271] {strides = array<i32>} : memref<512x64xf32, #tpu.memory_space<vmem>>, vector<1x16xf32>,
      %swap3A_273 = vector.shape_cast %swap3A_272 : vector<1x16xf32> to vector<16xf32>
      %swap3A_274 = vector.shape_cast %mul3A_269 : vector<16xf32> to vector<1x16xf32>
      tpu.vector_store %arg6[%swap3A_270, %swap3A_271], %swap3A_274 {strides = array<i32>} : memref<512x64xf32, #tpu.memory_space<vmem>>, vector<1x16xf32>,
      %mul3A_275 = arith.mulf %get3A_81, %min3A_263 : vector<16xf32>
      %swap3A_276 = arith.index_cast %scan3A_70 : i32 to index
      %swap3A_277 = arith.constant 32 : index
      %swap3A_278 = tpu.vector_load %arg6[%swap3A_276, %swap3A_277] {strides = array<i32>} : memref<512x64xf32, #tpu.memory_space<vmem>>, vector<1x16xf32>,
      %swap3A_279 = vector.shape_cast %swap3A_278 : vector<1x16xf32> to vector<16xf32>
      %swap3A_280 = vector.shape_cast %mul3A_275 : vector<16xf32> to vector<1x16xf32>
      tpu.vector_store %arg6[%swap3A_276, %swap3A_277], %swap3A_280 {strides = array<i32>} : memref<512x64xf32, #tpu.memory_space<vmem>>, vector<1x16xf32>,
      %mul3A_281 = arith.mulf %get3A_85, %min3A_263 : vector<16xf32>
      %swap3A_282 = arith.index_cast %scan3A_70 : i32 to index
      %swap3A_283 = arith.constant 48 : index
      %swap3A_284 = tpu.vector_load %arg6[%swap3A_282, %swap3A_283] {strides = array<i32>} : memref<512x64xf32, #tpu.memory_space<vmem>>, vector<1x16xf32>,
      %swap3A_285 = vector.shape_cast %swap3A_284 : vector<1x16xf32> to vector<16xf32>
      %swap3A_286 = vector.shape_cast %mul3A_281 : vector<16xf32> to vector<1x16xf32>
      tpu.vector_store %arg6[%swap3A_282, %swap3A_283], %swap3A_286 {strides = array<i32>} : memref<512x64xf32, #tpu.memory_space<vmem>>, vector<1x16xf32>,
      %scan3A_287 = arith.constant 1 : i32
      %scan3A_288 = arith.addi %scan3A_70, %scan3A_287 : i32
      %get3A_289 = arith.index_cast %scan3A_288 : i32 to index
      %get3A_290 = arith.constant 0 : index
      %get3A_291 = tpu.vector_load %arg6[%get3A_289, %get3A_290] {strides = array<i32>} : memref<512x64xf32, #tpu.memory_space<vmem>>, vector<1x16xf32>,
      %get3A_292 = vector.shape_cast %get3A_291 : vector<1x16xf32> to vector<16xf32>
      %get3A_293 = arith.index_cast %scan3A_288 : i32 to index
      %get3A_294 = arith.constant 16 : index
      %get3A_295 = tpu.vector_load %arg6[%get3A_293, %get3A_294] {strides = array<i32>} : memref<512x64xf32, #tpu.memory_space<vmem>>, vector<1x16xf32>,
      %get3A_296 = vector.shape_cast %get3A_295 : vector<1x16xf32> to vector<16xf32>
      %get3A_297 = arith.index_cast %scan3A_288 : i32 to index
      %get3A_298 = arith.constant 32 : index
      %get3A_299 = tpu.vector_load %arg6[%get3A_297, %get3A_298] {strides = array<i32>} : memref<512x64xf32, #tpu.memory_space<vmem>>, vector<1x16xf32>,
      %get3A_300 = vector.shape_cast %get3A_299 : vector<1x16xf32> to vector<16xf32>
      %get3A_301 = arith.index_cast %scan3A_288 : i32 to index
      %get3A_302 = arith.constant 48 : index
      %get3A_303 = tpu.vector_load %arg6[%get3A_301, %get3A_302] {strides = array<i32>} : memref<512x64xf32, #tpu.memory_space<vmem>>, vector<1x16xf32>,
      %get3A_304 = vector.shape_cast %get3A_303 : vector<1x16xf32> to vector<16xf32>
      %mul3A_305 = arith.mulf %get3A_292, %get3A_292 : vector<16xf32>
      %mul3A_306 = arith.mulf %get3A_296, %get3A_296 : vector<16xf32>
      %add3A_307 = arith.addf %mul3A_305, %mul3A_306 : vector<16xf32>
      %mul3A_308 = arith.mulf %get3A_300, %get3A_300 : vector<16xf32>
      %add3A_309 = arith.addf %add3A_307, %mul3A_308 : vector<16xf32>
      %mul3A_310 = arith.mulf %get3A_304, %get3A_304 : vector<16xf32>
      %add3A_311 = arith.addf %add3A_309, %mul3A_310 : vector<16xf32>
      %iota3A_312 = tpu.iota {dimensions = array<i32: 0>} : vector<16xi32>
      %add3A_313 = arith.constant 8 : i32
      %add3A_314 = vector.broadcast %add3A_313 : i32 to vector<16xi32>
      %add3A_315 = arith.addi %iota3A_312, %add3A_314 : vector<16xi32>
      %jit3A_316 = arith.constant 16 : i32
      %eq3A_317 = arith.constant 0 : i32
      %eq3A_318 = arith.cmpi eq, %jit3A_316, %eq3A_317 : i32
      %jit3A_319 = arith.constant 1 : i32
      %select_n3A_320 = arith.select %eq3A_318, %jit3A_319, %jit3A_316 : i32
      %rem3A_321 = vector.broadcast %select_n3A_320 : i32 to vector<16xi32>
      %rem3A_322 = arith.remsi %add3A_315, %rem3A_321 : vector<16xi32>
      %ne3A_323 = arith.constant 0 : i32
      %ne3A_324 = vector.broadcast %ne3A_323 : i32 to vector<16xi32>
      %ne3A_325 = arith.cmpi ne, %rem3A_322, %ne3A_324 : vector<16xi32>
      %lt3A_326 = arith.constant 0 : i32
      %lt3A_327 = vector.broadcast %lt3A_326 : i32 to vector<16xi32>
      %lt3A_328 = arith.cmpi slt, %rem3A_322, %lt3A_327 : vector<16xi32>
      %lt3A_329 = arith.constant 0 : i32
      %lt3A_330 = arith.cmpi slt, %select_n3A_320, %lt3A_329 : i32
      %ne3A_331 = vector.broadcast %lt3A_330 : i1 to vector<16xi1>
      %ne3A_332 = vector.broadcast %ne3A_331 : vector<16xi1> to vector<16xi1>
      %ne3A_333 = arith.xori %lt3A_328, %ne3A_332 : vector<16xi1>
      %and3A_334 = arith.andi %ne3A_333, %ne3A_325 : vector<16xi1>
      %add3A_335 = vector.broadcast %select_n3A_320 : i32 to vector<16xi32>
      %add3A_336 = arith.addi %rem3A_322, %add3A_335 : vector<16xi32>
      %select_n3A_337 = arith.select %and3A_334, %add3A_336, %rem3A_322 : vector<16xi1>, vector<16xi32>
      %lt3A_338 = arith.constant 0 : i32
      %lt3A_339 = vector.broadcast %lt3A_338 : i32 to vector<16xi32>
      %lt3A_340 = arith.cmpi slt, %select_n3A_337, %lt3A_339 : vector<16xi32>
      %add3A_341 = arith.constant 16 : i32
      %add3A_342 = vector.broadcast %add3A_341 : i32 to vector<16xi32>
      %add3A_343 = arith.addi %select_n3A_337, %add3A_342 : vector<16xi32>
      %select_n3A_344 = arith.select %lt3A_340, %add3A_343, %select_n3A_337 : vector<16xi1>, vector<16xi32>
      %broadcast_in_dim3A_345 = vector.shape_cast %select_n3A_344 : vector<16xi32> to vector<16x1xi32>
      %gather3A_346 = vector.shape_cast %broadcast_in_dim3A_345 : vector<16x1xi32> to vector<16xi32>
      %gather3A_347 = tpu.dynamic_gather %add3A_311[%gather3A_346] in [0] : vector<16xf32>, vector<16xi32> -> vector<16xf32>
      %add3A_348 = arith.addf %add3A_311, %gather3A_347 : vector<16xf32>
      %add3A_349 = arith.constant 4 : i32
      %add3A_350 = vector.broadcast %add3A_349 : i32 to vector<16xi32>
      %add3A_351 = arith.addi %iota3A_312, %add3A_350 : vector<16xi32>
      %jit3A_352 = arith.constant 16 : i32
      %eq3A_353 = arith.constant 0 : i32
      %eq3A_354 = arith.cmpi eq, %jit3A_352, %eq3A_353 : i32
      %jit3A_355 = arith.constant 1 : i32
      %select_n3A_356 = arith.select %eq3A_354, %jit3A_355, %jit3A_352 : i32
      %rem3A_357 = vector.broadcast %select_n3A_356 : i32 to vector<16xi32>
      %rem3A_358 = arith.remsi %add3A_351, %rem3A_357 : vector<16xi32>
      %ne3A_359 = arith.constant 0 : i32
      %ne3A_360 = vector.broadcast %ne3A_359 : i32 to vector<16xi32>
      %ne3A_361 = arith.cmpi ne, %rem3A_358, %ne3A_360 : vector<16xi32>
      %lt3A_362 = arith.constant 0 : i32
      %lt3A_363 = vector.broadcast %lt3A_362 : i32 to vector<16xi32>
      %lt3A_364 = arith.cmpi slt, %rem3A_358, %lt3A_363 : vector<16xi32>
      %lt3A_365 = arith.constant 0 : i32
      %lt3A_366 = arith.cmpi slt, %select_n3A_356, %lt3A_365 : i32
      %ne3A_367 = vector.broadcast %lt3A_366 : i1 to vector<16xi1>
      %ne3A_368 = vector.broadcast %ne3A_367 : vector<16xi1> to vector<16xi1>
      %ne3A_369 = arith.xori %lt3A_364, %ne3A_368 : vector<16xi1>
      %and3A_370 = arith.andi %ne3A_369, %ne3A_361 : vector<16xi1>
      %add3A_371 = vector.broadcast %select_n3A_356 : i32 to vector<16xi32>
      %add3A_372 = arith.addi %rem3A_358, %add3A_371 : vector<16xi32>
      %select_n3A_373 = arith.select %and3A_370, %add3A_372, %rem3A_358 : vector<16xi1>, vector<16xi32>
      %lt3A_374 = arith.constant 0 : i32
      %lt3A_375 = vector.broadcast %lt3A_374 : i32 to vector<16xi32>
      %lt3A_376 = arith.cmpi slt, %select_n3A_373, %lt3A_375 : vector<16xi32>
      %add3A_377 = arith.constant 16 : i32
      %add3A_378 = vector.broadcast %add3A_377 : i32 to vector<16xi32>
      %add3A_379 = arith.addi %select_n3A_373, %add3A_378 : vector<16xi32>
      %select_n3A_380 = arith.select %lt3A_376, %add3A_379, %select_n3A_373 : vector<16xi1>, vector<16xi32>
      %broadcast_in_dim3A_381 = vector.shape_cast %select_n3A_380 : vector<16xi32> to vector<16x1xi32>
      %gather3A_382 = vector.shape_cast %broadcast_in_dim3A_381 : vector<16x1xi32> to vector<16xi32>
      %gather3A_383 = tpu.dynamic_gather %add3A_348[%gather3A_382] in [0] : vector<16xf32>, vector<16xi32> -> vector<16xf32>
      %add3A_384 = arith.addf %add3A_348, %gather3A_383 : vector<16xf32>
      %add3A_385 = arith.constant 2 : i32
      %add3A_386 = vector.broadcast %add3A_385 : i32 to vector<16xi32>
      %add3A_387 = arith.addi %iota3A_312, %add3A_386 : vector<16xi32>
      %jit3A_388 = arith.constant 16 : i32
      %eq3A_389 = arith.constant 0 : i32
      %eq3A_390 = arith.cmpi eq, %jit3A_388, %eq3A_389 : i32
      %jit3A_391 = arith.constant 1 : i32
      %select_n3A_392 = arith.select %eq3A_390, %jit3A_391, %jit3A_388 : i32
      %rem3A_393 = vector.broadcast %select_n3A_392 : i32 to vector<16xi32>
      %rem3A_394 = arith.remsi %add3A_387, %rem3A_393 : vector<16xi32>
      %ne3A_395 = arith.constant 0 : i32
      %ne3A_396 = vector.broadcast %ne3A_395 : i32 to vector<16xi32>
      %ne3A_397 = arith.cmpi ne, %rem3A_394, %ne3A_396 : vector<16xi32>
      %lt3A_398 = arith.constant 0 : i32
      %lt3A_399 = vector.broadcast %lt3A_398 : i32 to vector<16xi32>
      %lt3A_400 = arith.cmpi slt, %rem3A_394, %lt3A_399 : vector<16xi32>
      %lt3A_401 = arith.constant 0 : i32
      %lt3A_402 = arith.cmpi slt, %select_n3A_392, %lt3A_401 : i32
      %ne3A_403 = vector.broadcast %lt3A_402 : i1 to vector<16xi1>
      %ne3A_404 = vector.broadcast %ne3A_403 : vector<16xi1> to vector<16xi1>
      %ne3A_405 = arith.xori %lt3A_400, %ne3A_404 : vector<16xi1>
      %and3A_406 = arith.andi %ne3A_405, %ne3A_397 : vector<16xi1>
      %add3A_407 = vector.broadcast %select_n3A_392 : i32 to vector<16xi32>
      %add3A_408 = arith.addi %rem3A_394, %add3A_407 : vector<16xi32>
      %select_n3A_409 = arith.select %and3A_406, %add3A_408, %rem3A_394 : vector<16xi1>, vector<16xi32>
      %lt3A_410 = arith.constant 0 : i32
      %lt3A_411 = vector.broadcast %lt3A_410 : i32 to vector<16xi32>
      %lt3A_412 = arith.cmpi slt, %select_n3A_409, %lt3A_411 : vector<16xi32>
      %add3A_413 = arith.constant 16 : i32
      %add3A_414 = vector.broadcast %add3A_413 : i32 to vector<16xi32>
      %add3A_415 = arith.addi %select_n3A_409, %add3A_414 : vector<16xi32>
      %select_n3A_416 = arith.select %lt3A_412, %add3A_415, %select_n3A_409 : vector<16xi1>, vector<16xi32>
      %broadcast_in_dim3A_417 = vector.shape_cast %select_n3A_416 : vector<16xi32> to vector<16x1xi32>
      %gather3A_418 = vector.shape_cast %broadcast_in_dim3A_417 : vector<16x1xi32> to vector<16xi32>
      %gather3A_419 = tpu.dynamic_gather %add3A_384[%gather3A_418] in [0] : vector<16xf32>, vector<16xi32> -> vector<16xf32>
      %add3A_420 = arith.addf %add3A_384, %gather3A_419 : vector<16xf32>
      %add3A_421 = arith.constant 1 : i32
      %add3A_422 = vector.broadcast %add3A_421 : i32 to vector<16xi32>
      %add3A_423 = arith.addi %iota3A_312, %add3A_422 : vector<16xi32>
      %jit3A_424 = arith.constant 16 : i32
      %eq3A_425 = arith.constant 0 : i32
      %eq3A_426 = arith.cmpi eq, %jit3A_424, %eq3A_425 : i32
      %jit3A_427 = arith.constant 1 : i32
      %select_n3A_428 = arith.select %eq3A_426, %jit3A_427, %jit3A_424 : i32
      %rem3A_429 = vector.broadcast %select_n3A_428 : i32 to vector<16xi32>
      %rem3A_430 = arith.remsi %add3A_423, %rem3A_429 : vector<16xi32>
      %ne3A_431 = arith.constant 0 : i32
      %ne3A_432 = vector.broadcast %ne3A_431 : i32 to vector<16xi32>
      %ne3A_433 = arith.cmpi ne, %rem3A_430, %ne3A_432 : vector<16xi32>
      %lt3A_434 = arith.constant 0 : i32
      %lt3A_435 = vector.broadcast %lt3A_434 : i32 to vector<16xi32>
      %lt3A_436 = arith.cmpi slt, %rem3A_430, %lt3A_435 : vector<16xi32>
      %lt3A_437 = arith.constant 0 : i32
      %lt3A_438 = arith.cmpi slt, %select_n3A_428, %lt3A_437 : i32
      %ne3A_439 = vector.broadcast %lt3A_438 : i1 to vector<16xi1>
      %ne3A_440 = vector.broadcast %ne3A_439 : vector<16xi1> to vector<16xi1>
      %ne3A_441 = arith.xori %lt3A_436, %ne3A_440 : vector<16xi1>
      %and3A_442 = arith.andi %ne3A_441, %ne3A_433 : vector<16xi1>
      %add3A_443 = vector.broadcast %select_n3A_428 : i32 to vector<16xi32>
      %add3A_444 = arith.addi %rem3A_430, %add3A_443 : vector<16xi32>
      %select_n3A_445 = arith.select %and3A_442, %add3A_444, %rem3A_430 : vector<16xi1>, vector<16xi32>
      %lt3A_446 = arith.constant 0 : i32
      %lt3A_447 = vector.broadcast %lt3A_446 : i32 to vector<16xi32>
      %lt3A_448 = arith.cmpi slt, %select_n3A_445, %lt3A_447 : vector<16xi32>
      %add3A_449 = arith.constant 16 : i32
      %add3A_450 = vector.broadcast %add3A_449 : i32 to vector<16xi32>
      %add3A_451 = arith.addi %select_n3A_445, %add3A_450 : vector<16xi32>
      %select_n3A_452 = arith.select %lt3A_448, %add3A_451, %select_n3A_445 : vector<16xi1>, vector<16xi32>
      %broadcast_in_dim3A_453 = vector.shape_cast %select_n3A_452 : vector<16xi32> to vector<16x1xi32>
      %gather3A_454 = vector.shape_cast %broadcast_in_dim3A_453 : vector<16x1xi32> to vector<16xi32>
      %gather3A_455 = tpu.dynamic_gather %add3A_420[%gather3A_454] in [0] : vector<16xf32>, vector<16xi32> -> vector<16xf32>
      %add3A_456 = arith.addf %add3A_420, %gather3A_455 : vector<16xf32>
      %max3A_457 = arith.constant 1.000000e-30 : f32
      %max3A_458 = vector.broadcast %max3A_457 : f32 to vector<16xf32>
      %max3A_459 = arith.maximumf %add3A_456, %max3A_458 : vector<16xf32>
      %bitcast_convert_type3A_460 = tpu.bitcast %max3A_459 : vector<16xf32> -> vector<16xi32>
      %shift_right_arithmetic3A_461 = arith.constant 1 : i32
      %shift_right_arithmetic3A_462 = vector.broadcast %shift_right_arithmetic3A_461 : i32 to vector<16xi32>
      %shift_right_arithmetic3A_463 = arith.shrsi %bitcast_convert_type3A_460, %shift_right_arithmetic3A_462 : vector<16xi32>
      %sub3A_464 = arith.constant 1597463007 : i32
      %sub3A_465 = vector.broadcast %sub3A_464 : i32 to vector<16xi32>
      %sub3A_466 = arith.subi %sub3A_465, %shift_right_arithmetic3A_463 : vector<16xi32>
      %bitcast_convert_type3A_467 = tpu.bitcast %sub3A_466 : vector<16xi32> -> vector<16xf32>
      %mul3A_468 = arith.constant 5.000000e-01 : f32
      %mul3A_469 = vector.broadcast %mul3A_468 : f32 to vector<16xf32>
      %mul3A_470 = arith.mulf %mul3A_469, %max3A_459 : vector<16xf32>
      %mul3A_471 = arith.mulf %mul3A_470, %bitcast_convert_type3A_467 : vector<16xf32>
      %mul3A_472 = arith.mulf %mul3A_471, %bitcast_convert_type3A_467 : vector<16xf32>
      %sub3A_473 = arith.constant 1.500000e+00 : f32
      %sub3A_474 = vector.broadcast %sub3A_473 : f32 to vector<16xf32>
      %sub3A_475 = arith.subf %sub3A_474, %mul3A_472 : vector<16xf32>
      %mul3A_476 = arith.mulf %bitcast_convert_type3A_467, %sub3A_475 : vector<16xf32>
      %mul3A_477 = arith.constant 5.000000e-01 : f32
      %mul3A_478 = vector.broadcast %mul3A_477 : f32 to vector<16xf32>
      %mul3A_479 = arith.mulf %mul3A_478, %max3A_459 : vector<16xf32>
      %mul3A_480 = arith.mulf %mul3A_479, %mul3A_476 : vector<16xf32>
      %mul3A_481 = arith.mulf %mul3A_480, %mul3A_476 : vector<16xf32>
      %sub3A_482 = arith.constant 1.500000e+00 : f32
      %sub3A_483 = vector.broadcast %sub3A_482 : f32 to vector<16xf32>
      %sub3A_484 = arith.subf %sub3A_483, %mul3A_481 : vector<16xf32>
      %mul3A_485 = arith.mulf %mul3A_476, %sub3A_484 : vector<16xf32>
      %mul3A_486 = arith.constant 5.000000e-01 : f32
      %mul3A_487 = vector.broadcast %mul3A_486 : f32 to vector<16xf32>
      %mul3A_488 = arith.mulf %mul3A_487, %max3A_459 : vector<16xf32>
      %mul3A_489 = arith.mulf %mul3A_488, %mul3A_485 : vector<16xf32>
      %mul3A_490 = arith.mulf %mul3A_489, %mul3A_485 : vector<16xf32>
      %sub3A_491 = arith.constant 1.500000e+00 : f32
      %sub3A_492 = vector.broadcast %sub3A_491 : f32 to vector<16xf32>
      %sub3A_493 = arith.subf %sub3A_492, %mul3A_490 : vector<16xf32>
      %mul3A_494 = arith.mulf %mul3A_485, %sub3A_493 : vector<16xf32>
      %min3A_495 = arith.constant 9.99999995E+11 : f32
      %min3A_496 = vector.broadcast %min3A_495 : f32 to vector<16xf32>
      %min3A_497 = arith.minimumf %mul3A_494, %min3A_496 : vector<16xf32>
      %mul3A_498 = arith.mulf %get3A_292, %min3A_497 : vector<16xf32>
      %swap3A_499 = arith.index_cast %scan3A_288 : i32 to index
      %swap3A_500 = arith.constant 0 : index
      %swap3A_501 = tpu.vector_load %arg6[%swap3A_499, %swap3A_500] {strides = array<i32>} : memref<512x64xf32, #tpu.memory_space<vmem>>, vector<1x16xf32>,
      %swap3A_502 = vector.shape_cast %swap3A_501 : vector<1x16xf32> to vector<16xf32>
      %swap3A_503 = vector.shape_cast %mul3A_498 : vector<16xf32> to vector<1x16xf32>
      tpu.vector_store %arg6[%swap3A_499, %swap3A_500], %swap3A_503 {strides = array<i32>} : memref<512x64xf32, #tpu.memory_space<vmem>>, vector<1x16xf32>,
      %mul3A_504 = arith.mulf %get3A_296, %min3A_497 : vector<16xf32>
      %swap3A_505 = arith.index_cast %scan3A_288 : i32 to index
      %swap3A_506 = arith.constant 16 : index
      %swap3A_507 = tpu.vector_load %arg6[%swap3A_505, %swap3A_506] {strides = array<i32>} : memref<512x64xf32, #tpu.memory_space<vmem>>, vector<1x16xf32>,
      %swap3A_508 = vector.shape_cast %swap3A_507 : vector<1x16xf32> to vector<16xf32>
      %swap3A_509 = vector.shape_cast %mul3A_504 : vector<16xf32> to vector<1x16xf32>
      tpu.vector_store %arg6[%swap3A_505, %swap3A_506], %swap3A_509 {strides = array<i32>} : memref<512x64xf32, #tpu.memory_space<vmem>>, vector<1x16xf32>,
      %mul3A_510 = arith.mulf %get3A_300, %min3A_497 : vector<16xf32>
      %swap3A_511 = arith.index_cast %scan3A_288 : i32 to index
      %swap3A_512 = arith.constant 32 : index
      %swap3A_513 = tpu.vector_load %arg6[%swap3A_511, %swap3A_512] {strides = array<i32>} : memref<512x64xf32, #tpu.memory_space<vmem>>, vector<1x16xf32>,
      %swap3A_514 = vector.shape_cast %swap3A_513 : vector<1x16xf32> to vector<16xf32>
      %swap3A_515 = vector.shape_cast %mul3A_510 : vector<16xf32> to vector<1x16xf32>
      tpu.vector_store %arg6[%swap3A_511, %swap3A_512], %swap3A_515 {strides = array<i32>} : memref<512x64xf32, #tpu.memory_space<vmem>>, vector<1x16xf32>,
      %mul3A_516 = arith.mulf %get3A_304, %min3A_497 : vector<16xf32>
      %swap3A_517 = arith.index_cast %scan3A_288 : i32 to index
      %swap3A_518 = arith.constant 48 : index
      %swap3A_519 = tpu.vector_load %arg6[%swap3A_517, %swap3A_518] {strides = array<i32>} : memref<512x64xf32, #tpu.memory_space<vmem>>, vector<1x16xf32>,
      %swap3A_520 = vector.shape_cast %swap3A_519 : vector<1x16xf32> to vector<16xf32>
      %swap3A_521 = vector.shape_cast %mul3A_516 : vector<16xf32> to vector<1x16xf32>
      tpu.vector_store %arg6[%swap3A_517, %swap3A_518], %swap3A_521 {strides = array<i32>} : memref<512x64xf32, #tpu.memory_space<vmem>>, vector<1x16xf32>,
      %scan3A_522 = arith.constant 2 : i32
      %scan3A_523 = arith.addi %scan3A_70, %scan3A_522 : i32
      %get3A_524 = arith.index_cast %scan3A_523 : i32 to index
      %get3A_525 = arith.constant 0 : index
      %get3A_526 = tpu.vector_load %arg6[%get3A_524, %get3A_525] {strides = array<i32>} : memref<512x64xf32, #tpu.memory_space<vmem>>, vector<1x16xf32>,
      %get3A_527 = vector.shape_cast %get3A_526 : vector<1x16xf32> to vector<16xf32>
      %get3A_528 = arith.index_cast %scan3A_523 : i32 to index
      %get3A_529 = arith.constant 16 : index
      %get3A_530 = tpu.vector_load %arg6[%get3A_528, %get3A_529] {strides = array<i32>} : memref<512x64xf32, #tpu.memory_space<vmem>>, vector<1x16xf32>,
      %get3A_531 = vector.shape_cast %get3A_530 : vector<1x16xf32> to vector<16xf32>
      %get3A_532 = arith.index_cast %scan3A_523 : i32 to index
      %get3A_533 = arith.constant 32 : index
      %get3A_534 = tpu.vector_load %arg6[%get3A_532, %get3A_533] {strides = array<i32>} : memref<512x64xf32, #tpu.memory_space<vmem>>, vector<1x16xf32>,
      %get3A_535 = vector.shape_cast %get3A_534 : vector<1x16xf32> to vector<16xf32>
      %get3A_536 = arith.index_cast %scan3A_523 : i32 to index
      %get3A_537 = arith.constant 48 : index
      %get3A_538 = tpu.vector_load %arg6[%get3A_536, %get3A_537] {strides = array<i32>} : memref<512x64xf32, #tpu.memory_space<vmem>>, vector<1x16xf32>,
      %get3A_539 = vector.shape_cast %get3A_538 : vector<1x16xf32> to vector<16xf32>
      %mul3A_540 = arith.mulf %get3A_527, %get3A_527 : vector<16xf32>
      %mul3A_541 = arith.mulf %get3A_531, %get3A_531 : vector<16xf32>
      %add3A_542 = arith.addf %mul3A_540, %mul3A_541 : vector<16xf32>
      %mul3A_543 = arith.mulf %get3A_535, %get3A_535 : vector<16xf32>
      %add3A_544 = arith.addf %add3A_542, %mul3A_543 : vector<16xf32>
      %mul3A_545 = arith.mulf %get3A_539, %get3A_539 : vector<16xf32>
      %add3A_546 = arith.addf %add3A_544, %mul3A_545 : vector<16xf32>
      %iota3A_547 = tpu.iota {dimensions = array<i32: 0>} : vector<16xi32>
      %add3A_548 = arith.constant 8 : i32
      %add3A_549 = vector.broadcast %add3A_548 : i32 to vector<16xi32>
      %add3A_550 = arith.addi %iota3A_547, %add3A_549 : vector<16xi32>
      %jit3A_551 = arith.constant 16 : i32
      %eq3A_552 = arith.constant 0 : i32
      %eq3A_553 = arith.cmpi eq, %jit3A_551, %eq3A_552 : i32
      %jit3A_554 = arith.constant 1 : i32
      %select_n3A_555 = arith.select %eq3A_553, %jit3A_554, %jit3A_551 : i32
      %rem3A_556 = vector.broadcast %select_n3A_555 : i32 to vector<16xi32>
      %rem3A_557 = arith.remsi %add3A_550, %rem3A_556 : vector<16xi32>
      %ne3A_558 = arith.constant 0 : i32
      %ne3A_559 = vector.broadcast %ne3A_558 : i32 to vector<16xi32>
      %ne3A_560 = arith.cmpi ne, %rem3A_557, %ne3A_559 : vector<16xi32>
      %lt3A_561 = arith.constant 0 : i32
      %lt3A_562 = vector.broadcast %lt3A_561 : i32 to vector<16xi32>
      %lt3A_563 = arith.cmpi slt, %rem3A_557, %lt3A_562 : vector<16xi32>
      %lt3A_564 = arith.constant 0 : i32
      %lt3A_565 = arith.cmpi slt, %select_n3A_555, %lt3A_564 : i32
      %ne3A_566 = vector.broadcast %lt3A_565 : i1 to vector<16xi1>
      %ne3A_567 = vector.broadcast %ne3A_566 : vector<16xi1> to vector<16xi1>
      %ne3A_568 = arith.xori %lt3A_563, %ne3A_567 : vector<16xi1>
      %and3A_569 = arith.andi %ne3A_568, %ne3A_560 : vector<16xi1>
      %add3A_570 = vector.broadcast %select_n3A_555 : i32 to vector<16xi32>
      %add3A_571 = arith.addi %rem3A_557, %add3A_570 : vector<16xi32>
      %select_n3A_572 = arith.select %and3A_569, %add3A_571, %rem3A_557 : vector<16xi1>, vector<16xi32>
      %lt3A_573 = arith.constant 0 : i32
      %lt3A_574 = vector.broadcast %lt3A_573 : i32 to vector<16xi32>
      %lt3A_575 = arith.cmpi slt, %select_n3A_572, %lt3A_574 : vector<16xi32>
      %add3A_576 = arith.constant 16 : i32
      %add3A_577 = vector.broadcast %add3A_576 : i32 to vector<16xi32>
      %add3A_578 = arith.addi %select_n3A_572, %add3A_577 : vector<16xi32>
      %select_n3A_579 = arith.select %lt3A_575, %add3A_578, %select_n3A_572 : vector<16xi1>, vector<16xi32>
      %broadcast_in_dim3A_580 = vector.shape_cast %select_n3A_579 : vector<16xi32> to vector<16x1xi32>
      %gather3A_581 = vector.shape_cast %broadcast_in_dim3A_580 : vector<16x1xi32> to vector<16xi32>
      %gather3A_582 = tpu.dynamic_gather %add3A_546[%gather3A_581] in [0] : vector<16xf32>, vector<16xi32> -> vector<16xf32>
      %add3A_583 = arith.addf %add3A_546, %gather3A_582 : vector<16xf32>
      %add3A_584 = arith.constant 4 : i32
      %add3A_585 = vector.broadcast %add3A_584 : i32 to vector<16xi32>
      %add3A_586 = arith.addi %iota3A_547, %add3A_585 : vector<16xi32>
      %jit3A_587 = arith.constant 16 : i32
      %eq3A_588 = arith.constant 0 : i32
      %eq3A_589 = arith.cmpi eq, %jit3A_587, %eq3A_588 : i32
      %jit3A_590 = arith.constant 1 : i32
      %select_n3A_591 = arith.select %eq3A_589, %jit3A_590, %jit3A_587 : i32
      %rem3A_592 = vector.broadcast %select_n3A_591 : i32 to vector<16xi32>
      %rem3A_593 = arith.remsi %add3A_586, %rem3A_592 : vector<16xi32>
      %ne3A_594 = arith.constant 0 : i32
      %ne3A_595 = vector.broadcast %ne3A_594 : i32 to vector<16xi32>
      %ne3A_596 = arith.cmpi ne, %rem3A_593, %ne3A_595 : vector<16xi32>
      %lt3A_597 = arith.constant 0 : i32
      %lt3A_598 = vector.broadcast %lt3A_597 : i32 to vector<16xi32>
      %lt3A_599 = arith.cmpi slt, %rem3A_593, %lt3A_598 : vector<16xi32>
      %lt3A_600 = arith.constant 0 : i32
      %lt3A_601 = arith.cmpi slt, %select_n3A_591, %lt3A_600 : i32
      %ne3A_602 = vector.broadcast %lt3A_601 : i1 to vector<16xi1>
      %ne3A_603 = vector.broadcast %ne3A_602 : vector<16xi1> to vector<16xi1>
      %ne3A_604 = arith.xori %lt3A_599, %ne3A_603 : vector<16xi1>
      %and3A_605 = arith.andi %ne3A_604, %ne3A_596 : vector<16xi1>
      %add3A_606 = vector.broadcast %select_n3A_591 : i32 to vector<16xi32>
      %add3A_607 = arith.addi %rem3A_593, %add3A_606 : vector<16xi32>
      %select_n3A_608 = arith.select %and3A_605, %add3A_607, %rem3A_593 : vector<16xi1>, vector<16xi32>
      %lt3A_609 = arith.constant 0 : i32
      %lt3A_610 = vector.broadcast %lt3A_609 : i32 to vector<16xi32>
      %lt3A_611 = arith.cmpi slt, %select_n3A_608, %lt3A_610 : vector<16xi32>
      %add3A_612 = arith.constant 16 : i32
      %add3A_613 = vector.broadcast %add3A_612 : i32 to vector<16xi32>
      %add3A_614 = arith.addi %select_n3A_608, %add3A_613 : vector<16xi32>
      %select_n3A_615 = arith.select %lt3A_611, %add3A_614, %select_n3A_608 : vector<16xi1>, vector<16xi32>
      %broadcast_in_dim3A_616 = vector.shape_cast %select_n3A_615 : vector<16xi32> to vector<16x1xi32>
      %gather3A_617 = vector.shape_cast %broadcast_in_dim3A_616 : vector<16x1xi32> to vector<16xi32>
      %gather3A_618 = tpu.dynamic_gather %add3A_583[%gather3A_617] in [0] : vector<16xf32>, vector<16xi32> -> vector<16xf32>
      %add3A_619 = arith.addf %add3A_583, %gather3A_618 : vector<16xf32>
      %add3A_620 = arith.constant 2 : i32
      %add3A_621 = vector.broadcast %add3A_620 : i32 to vector<16xi32>
      %add3A_622 = arith.addi %iota3A_547, %add3A_621 : vector<16xi32>
      %jit3A_623 = arith.constant 16 : i32
      %eq3A_624 = arith.constant 0 : i32
      %eq3A_625 = arith.cmpi eq, %jit3A_623, %eq3A_624 : i32
      %jit3A_626 = arith.constant 1 : i32
      %select_n3A_627 = arith.select %eq3A_625, %jit3A_626, %jit3A_623 : i32
      %rem3A_628 = vector.broadcast %select_n3A_627 : i32 to vector<16xi32>
      %rem3A_629 = arith.remsi %add3A_622, %rem3A_628 : vector<16xi32>
      %ne3A_630 = arith.constant 0 : i32
      %ne3A_631 = vector.broadcast %ne3A_630 : i32 to vector<16xi32>
      %ne3A_632 = arith.cmpi ne, %rem3A_629, %ne3A_631 : vector<16xi32>
      %lt3A_633 = arith.constant 0 : i32
      %lt3A_634 = vector.broadcast %lt3A_633 : i32 to vector<16xi32>
      %lt3A_635 = arith.cmpi slt, %rem3A_629, %lt3A_634 : vector<16xi32>
      %lt3A_636 = arith.constant 0 : i32
      %lt3A_637 = arith.cmpi slt, %select_n3A_627, %lt3A_636 : i32
      %ne3A_638 = vector.broadcast %lt3A_637 : i1 to vector<16xi1>
      %ne3A_639 = vector.broadcast %ne3A_638 : vector<16xi1> to vector<16xi1>
      %ne3A_640 = arith.xori %lt3A_635, %ne3A_639 : vector<16xi1>
      %and3A_641 = arith.andi %ne3A_640, %ne3A_632 : vector<16xi1>
      %add3A_642 = vector.broadcast %select_n3A_627 : i32 to vector<16xi32>
      %add3A_643 = arith.addi %rem3A_629, %add3A_642 : vector<16xi32>
      %select_n3A_644 = arith.select %and3A_641, %add3A_643, %rem3A_629 : vector<16xi1>, vector<16xi32>
      %lt3A_645 = arith.constant 0 : i32
      %lt3A_646 = vector.broadcast %lt3A_645 : i32 to vector<16xi32>
      %lt3A_647 = arith.cmpi slt, %select_n3A_644, %lt3A_646 : vector<16xi32>
      %add3A_648 = arith.constant 16 : i32
      %add3A_649 = vector.broadcast %add3A_648 : i32 to vector<16xi32>
      %add3A_650 = arith.addi %select_n3A_644, %add3A_649 : vector<16xi32>
      %select_n3A_651 = arith.select %lt3A_647, %add3A_650, %select_n3A_644 : vector<16xi1>, vector<16xi32>
      %broadcast_in_dim3A_652 = vector.shape_cast %select_n3A_651 : vector<16xi32> to vector<16x1xi32>
      %gather3A_653 = vector.shape_cast %broadcast_in_dim3A_652 : vector<16x1xi32> to vector<16xi32>
      %gather3A_654 = tpu.dynamic_gather %add3A_619[%gather3A_653] in [0] : vector<16xf32>, vector<16xi32> -> vector<16xf32>
      %add3A_655 = arith.addf %add3A_619, %gather3A_654 : vector<16xf32>
      %add3A_656 = arith.constant 1 : i32
      %add3A_657 = vector.broadcast %add3A_656 : i32 to vector<16xi32>
      %add3A_658 = arith.addi %iota3A_547, %add3A_657 : vector<16xi32>
      %jit3A_659 = arith.constant 16 : i32
      %eq3A_660 = arith.constant 0 : i32
      %eq3A_661 = arith.cmpi eq, %jit3A_659, %eq3A_660 : i32
      %jit3A_662 = arith.constant 1 : i32
      %select_n3A_663 = arith.select %eq3A_661, %jit3A_662, %jit3A_659 : i32
      %rem3A_664 = vector.broadcast %select_n3A_663 : i32 to vector<16xi32>
      %rem3A_665 = arith.remsi %add3A_658, %rem3A_664 : vector<16xi32>
      %ne3A_666 = arith.constant 0 : i32
      %ne3A_667 = vector.broadcast %ne3A_666 : i32 to vector<16xi32>
      %ne3A_668 = arith.cmpi ne, %rem3A_665, %ne3A_667 : vector<16xi32>
      %lt3A_669 = arith.constant 0 : i32
      %lt3A_670 = vector.broadcast %lt3A_669 : i32 to vector<16xi32>
      %lt3A_671 = arith.cmpi slt, %rem3A_665, %lt3A_670 : vector<16xi32>
      %lt3A_672 = arith.constant 0 : i32
      %lt3A_673 = arith.cmpi slt, %select_n3A_663, %lt3A_672 : i32
      %ne3A_674 = vector.broadcast %lt3A_673 : i1 to vector<16xi1>
      %ne3A_675 = vector.broadcast %ne3A_674 : vector<16xi1> to vector<16xi1>
      %ne3A_676 = arith.xori %lt3A_671, %ne3A_675 : vector<16xi1>
      %and3A_677 = arith.andi %ne3A_676, %ne3A_668 : vector<16xi1>
      %add3A_678 = vector.broadcast %select_n3A_663 : i32 to vector<16xi32>
      %add3A_679 = arith.addi %rem3A_665, %add3A_678 : vector<16xi32>
      %select_n3A_680 = arith.select %and3A_677, %add3A_679, %rem3A_665 : vector<16xi1>, vector<16xi32>
      %lt3A_681 = arith.constant 0 : i32
      %lt3A_682 = vector.broadcast %lt3A_681 : i32 to vector<16xi32>
      %lt3A_683 = arith.cmpi slt, %select_n3A_680, %lt3A_682 : vector<16xi32>
      %add3A_684 = arith.constant 16 : i32
      %add3A_685 = vector.broadcast %add3A_684 : i32 to vector<16xi32>
      %add3A_686 = arith.addi %select_n3A_680, %add3A_685 : vector<16xi32>
      %select_n3A_687 = arith.select %lt3A_683, %add3A_686, %select_n3A_680 : vector<16xi1>, vector<16xi32>
      %broadcast_in_dim3A_688 = vector.shape_cast %select_n3A_687 : vector<16xi32> to vector<16x1xi32>
      %gather3A_689 = vector.shape_cast %broadcast_in_dim3A_688 : vector<16x1xi32> to vector<16xi32>
      %gather3A_690 = tpu.dynamic_gather %add3A_655[%gather3A_689] in [0] : vector<16xf32>, vector<16xi32> -> vector<16xf32>
      %add3A_691 = arith.addf %add3A_655, %gather3A_690 : vector<16xf32>
      %max3A_692 = arith.constant 1.000000e-30 : f32
      %max3A_693 = vector.broadcast %max3A_692 : f32 to vector<16xf32>
      %max3A_694 = arith.maximumf %add3A_691, %max3A_693 : vector<16xf32>
      %bitcast_convert_type3A_695 = tpu.bitcast %max3A_694 : vector<16xf32> -> vector<16xi32>
      %shift_right_arithmetic3A_696 = arith.constant 1 : i32
      %shift_right_arithmetic3A_697 = vector.broadcast %shift_right_arithmetic3A_696 : i32 to vector<16xi32>
      %shift_right_arithmetic3A_698 = arith.shrsi %bitcast_convert_type3A_695, %shift_right_arithmetic3A_697 : vector<16xi32>
      %sub3A_699 = arith.constant 1597463007 : i32
      %sub3A_700 = vector.broadcast %sub3A_699 : i32 to vector<16xi32>
      %sub3A_701 = arith.subi %sub3A_700, %shift_right_arithmetic3A_698 : vector<16xi32>
      %bitcast_convert_type3A_702 = tpu.bitcast %sub3A_701 : vector<16xi32> -> vector<16xf32>
      %mul3A_703 = arith.constant 5.000000e-01 : f32
      %mul3A_704 = vector.broadcast %mul3A_703 : f32 to vector<16xf32>
      %mul3A_705 = arith.mulf %mul3A_704, %max3A_694 : vector<16xf32>
      %mul3A_706 = arith.mulf %mul3A_705, %bitcast_convert_type3A_702 : vector<16xf32>
      %mul3A_707 = arith.mulf %mul3A_706, %bitcast_convert_type3A_702 : vector<16xf32>
      %sub3A_708 = arith.constant 1.500000e+00 : f32
      %sub3A_709 = vector.broadcast %sub3A_708 : f32 to vector<16xf32>
      %sub3A_710 = arith.subf %sub3A_709, %mul3A_707 : vector<16xf32>
      %mul3A_711 = arith.mulf %bitcast_convert_type3A_702, %sub3A_710 : vector<16xf32>
      %mul3A_712 = arith.constant 5.000000e-01 : f32
      %mul3A_713 = vector.broadcast %mul3A_712 : f32 to vector<16xf32>
      %mul3A_714 = arith.mulf %mul3A_713, %max3A_694 : vector<16xf32>
      %mul3A_715 = arith.mulf %mul3A_714, %mul3A_711 : vector<16xf32>
      %mul3A_716 = arith.mulf %mul3A_715, %mul3A_711 : vector<16xf32>
      %sub3A_717 = arith.constant 1.500000e+00 : f32
      %sub3A_718 = vector.broadcast %sub3A_717 : f32 to vector<16xf32>
      %sub3A_719 = arith.subf %sub3A_718, %mul3A_716 : vector<16xf32>
      %mul3A_720 = arith.mulf %mul3A_711, %sub3A_719 : vector<16xf32>
      %mul3A_721 = arith.constant 5.000000e-01 : f32
      %mul3A_722 = vector.broadcast %mul3A_721 : f32 to vector<16xf32>
      %mul3A_723 = arith.mulf %mul3A_722, %max3A_694 : vector<16xf32>
      %mul3A_724 = arith.mulf %mul3A_723, %mul3A_720 : vector<16xf32>
      %mul3A_725 = arith.mulf %mul3A_724, %mul3A_720 : vector<16xf32>
      %sub3A_726 = arith.constant 1.500000e+00 : f32
      %sub3A_727 = vector.broadcast %sub3A_726 : f32 to vector<16xf32>
      %sub3A_728 = arith.subf %sub3A_727, %mul3A_725 : vector<16xf32>
      %mul3A_729 = arith.mulf %mul3A_720, %sub3A_728 : vector<16xf32>
      %min3A_730 = arith.constant 9.99999995E+11 : f32
      %min3A_731 = vector.broadcast %min3A_730 : f32 to vector<16xf32>
      %min3A_732 = arith.minimumf %mul3A_729, %min3A_731 : vector<16xf32>
      %mul3A_733 = arith.mulf %get3A_527, %min3A_732 : vector<16xf32>
      %swap3A_734 = arith.index_cast %scan3A_523 : i32 to index
      %swap3A_735 = arith.constant 0 : index
      %swap3A_736 = tpu.vector_load %arg6[%swap3A_734, %swap3A_735] {strides = array<i32>} : memref<512x64xf32, #tpu.memory_space<vmem>>, vector<1x16xf32>,
      %swap3A_737 = vector.shape_cast %swap3A_736 : vector<1x16xf32> to vector<16xf32>
      %swap3A_738 = vector.shape_cast %mul3A_733 : vector<16xf32> to vector<1x16xf32>
      tpu.vector_store %arg6[%swap3A_734, %swap3A_735], %swap3A_738 {strides = array<i32>} : memref<512x64xf32, #tpu.memory_space<vmem>>, vector<1x16xf32>,
      %mul3A_739 = arith.mulf %get3A_531, %min3A_732 : vector<16xf32>
      %swap3A_740 = arith.index_cast %scan3A_523 : i32 to index
      %swap3A_741 = arith.constant 16 : index
      %swap3A_742 = tpu.vector_load %arg6[%swap3A_740, %swap3A_741] {strides = array<i32>} : memref<512x64xf32, #tpu.memory_space<vmem>>, vector<1x16xf32>,
      %swap3A_743 = vector.shape_cast %swap3A_742 : vector<1x16xf32> to vector<16xf32>
      %swap3A_744 = vector.shape_cast %mul3A_739 : vector<16xf32> to vector<1x16xf32>
      tpu.vector_store %arg6[%swap3A_740, %swap3A_741], %swap3A_744 {strides = array<i32>} : memref<512x64xf32, #tpu.memory_space<vmem>>, vector<1x16xf32>,
      %mul3A_745 = arith.mulf %get3A_535, %min3A_732 : vector<16xf32>
      %swap3A_746 = arith.index_cast %scan3A_523 : i32 to index
      %swap3A_747 = arith.constant 32 : index
      %swap3A_748 = tpu.vector_load %arg6[%swap3A_746, %swap3A_747] {strides = array<i32>} : memref<512x64xf32, #tpu.memory_space<vmem>>, vector<1x16xf32>,
      %swap3A_749 = vector.shape_cast %swap3A_748 : vector<1x16xf32> to vector<16xf32>
      %swap3A_750 = vector.shape_cast %mul3A_745 : vector<16xf32> to vector<1x16xf32>
      tpu.vector_store %arg6[%swap3A_746, %swap3A_747], %swap3A_750 {strides = array<i32>} : memref<512x64xf32, #tpu.memory_space<vmem>>, vector<1x16xf32>,
      %mul3A_751 = arith.mulf %get3A_539, %min3A_732 : vector<16xf32>
      %swap3A_752 = arith.index_cast %scan3A_523 : i32 to index
      %swap3A_753 = arith.constant 48 : index
      %swap3A_754 = tpu.vector_load %arg6[%swap3A_752, %swap3A_753] {strides = array<i32>} : memref<512x64xf32, #tpu.memory_space<vmem>>, vector<1x16xf32>,
      %swap3A_755 = vector.shape_cast %swap3A_754 : vector<1x16xf32> to vector<16xf32>
      %swap3A_756 = vector.shape_cast %mul3A_751 : vector<16xf32> to vector<1x16xf32>
      tpu.vector_store %arg6[%swap3A_752, %swap3A_753], %swap3A_756 {strides = array<i32>} : memref<512x64xf32, #tpu.memory_space<vmem>>, vector<1x16xf32>,
      %scan3A_757 = arith.constant 3 : i32
      %scan3A_758 = arith.addi %scan3A_70, %scan3A_757 : i32
      %get3A_759 = arith.index_cast %scan3A_758 : i32 to index
      %get3A_760 = arith.constant 0 : index
      %get3A_761 = tpu.vector_load %arg6[%get3A_759, %get3A_760] {strides = array<i32>} : memref<512x64xf32, #tpu.memory_space<vmem>>, vector<1x16xf32>,
      %get3A_762 = vector.shape_cast %get3A_761 : vector<1x16xf32> to vector<16xf32>
      %get3A_763 = arith.index_cast %scan3A_758 : i32 to index
      %get3A_764 = arith.constant 16 : index
      %get3A_765 = tpu.vector_load %arg6[%get3A_763, %get3A_764] {strides = array<i32>} : memref<512x64xf32, #tpu.memory_space<vmem>>, vector<1x16xf32>,
      %get3A_766 = vector.shape_cast %get3A_765 : vector<1x16xf32> to vector<16xf32>
      %get3A_767 = arith.index_cast %scan3A_758 : i32 to index
      %get3A_768 = arith.constant 32 : index
      %get3A_769 = tpu.vector_load %arg6[%get3A_767, %get3A_768] {strides = array<i32>} : memref<512x64xf32, #tpu.memory_space<vmem>>, vector<1x16xf32>,
      %get3A_770 = vector.shape_cast %get3A_769 : vector<1x16xf32> to vector<16xf32>
      %get3A_771 = arith.index_cast %scan3A_758 : i32 to index
      %get3A_772 = arith.constant 48 : index
      %get3A_773 = tpu.vector_load %arg6[%get3A_771, %get3A_772] {strides = array<i32>} : memref<512x64xf32, #tpu.memory_space<vmem>>, vector<1x16xf32>,
      %get3A_774 = vector.shape_cast %get3A_773 : vector<1x16xf32> to vector<16xf32>
      %mul3A_775 = arith.mulf %get3A_762, %get3A_762 : vector<16xf32>
      %mul3A_776 = arith.mulf %get3A_766, %get3A_766 : vector<16xf32>
      %add3A_777 = arith.addf %mul3A_775, %mul3A_776 : vector<16xf32>
      %mul3A_778 = arith.mulf %get3A_770, %get3A_770 : vector<16xf32>
      %add3A_779 = arith.addf %add3A_777, %mul3A_778 : vector<16xf32>
      %mul3A_780 = arith.mulf %get3A_774, %get3A_774 : vector<16xf32>
      %add3A_781 = arith.addf %add3A_779, %mul3A_780 : vector<16xf32>
      %iota3A_782 = tpu.iota {dimensions = array<i32: 0>} : vector<16xi32>
      %add3A_783 = arith.constant 8 : i32
      %add3A_784 = vector.broadcast %add3A_783 : i32 to vector<16xi32>
      %add3A_785 = arith.addi %iota3A_782, %add3A_784 : vector<16xi32>
      %jit3A_786 = arith.constant 16 : i32
      %eq3A_787 = arith.constant 0 : i32
      %eq3A_788 = arith.cmpi eq, %jit3A_786, %eq3A_787 : i32
      %jit3A_789 = arith.constant 1 : i32
      %select_n3A_790 = arith.select %eq3A_788, %jit3A_789, %jit3A_786 : i32
      %rem3A_791 = vector.broadcast %select_n3A_790 : i32 to vector<16xi32>
      %rem3A_792 = arith.remsi %add3A_785, %rem3A_791 : vector<16xi32>
      %ne3A_793 = arith.constant 0 : i32
      %ne3A_794 = vector.broadcast %ne3A_793 : i32 to vector<16xi32>
      %ne3A_795 = arith.cmpi ne, %rem3A_792, %ne3A_794 : vector<16xi32>
      %lt3A_796 = arith.constant 0 : i32
      %lt3A_797 = vector.broadcast %lt3A_796 : i32 to vector<16xi32>
      %lt3A_798 = arith.cmpi slt, %rem3A_792, %lt3A_797 : vector<16xi32>
      %lt3A_799 = arith.constant 0 : i32
      %lt3A_800 = arith.cmpi slt, %select_n3A_790, %lt3A_799 : i32
      %ne3A_801 = vector.broadcast %lt3A_800 : i1 to vector<16xi1>
      %ne3A_802 = vector.broadcast %ne3A_801 : vector<16xi1> to vector<16xi1>
      %ne3A_803 = arith.xori %lt3A_798, %ne3A_802 : vector<16xi1>
      %and3A_804 = arith.andi %ne3A_803, %ne3A_795 : vector<16xi1>
      %add3A_805 = vector.broadcast %select_n3A_790 : i32 to vector<16xi32>
      %add3A_806 = arith.addi %rem3A_792, %add3A_805 : vector<16xi32>
      %select_n3A_807 = arith.select %and3A_804, %add3A_806, %rem3A_792 : vector<16xi1>, vector<16xi32>
      %lt3A_808 = arith.constant 0 : i32
      %lt3A_809 = vector.broadcast %lt3A_808 : i32 to vector<16xi32>
      %lt3A_810 = arith.cmpi slt, %select_n3A_807, %lt3A_809 : vector<16xi32>
      %add3A_811 = arith.constant 16 : i32
      %add3A_812 = vector.broadcast %add3A_811 : i32 to vector<16xi32>
      %add3A_813 = arith.addi %select_n3A_807, %add3A_812 : vector<16xi32>
      %select_n3A_814 = arith.select %lt3A_810, %add3A_813, %select_n3A_807 : vector<16xi1>, vector<16xi32>
      %broadcast_in_dim3A_815 = vector.shape_cast %select_n3A_814 : vector<16xi32> to vector<16x1xi32>
      %gather3A_816 = vector.shape_cast %broadcast_in_dim3A_815 : vector<16x1xi32> to vector<16xi32>
      %gather3A_817 = tpu.dynamic_gather %add3A_781[%gather3A_816] in [0] : vector<16xf32>, vector<16xi32> -> vector<16xf32>
      %add3A_818 = arith.addf %add3A_781, %gather3A_817 : vector<16xf32>
      %add3A_819 = arith.constant 4 : i32
      %add3A_820 = vector.broadcast %add3A_819 : i32 to vector<16xi32>
      %add3A_821 = arith.addi %iota3A_782, %add3A_820 : vector<16xi32>
      %jit3A_822 = arith.constant 16 : i32
      %eq3A_823 = arith.constant 0 : i32
      %eq3A_824 = arith.cmpi eq, %jit3A_822, %eq3A_823 : i32
      %jit3A_825 = arith.constant 1 : i32
      %select_n3A_826 = arith.select %eq3A_824, %jit3A_825, %jit3A_822 : i32
      %rem3A_827 = vector.broadcast %select_n3A_826 : i32 to vector<16xi32>
      %rem3A_828 = arith.remsi %add3A_821, %rem3A_827 : vector<16xi32>
      %ne3A_829 = arith.constant 0 : i32
      %ne3A_830 = vector.broadcast %ne3A_829 : i32 to vector<16xi32>
      %ne3A_831 = arith.cmpi ne, %rem3A_828, %ne3A_830 : vector<16xi32>
      %lt3A_832 = arith.constant 0 : i32
      %lt3A_833 = vector.broadcast %lt3A_832 : i32 to vector<16xi32>
      %lt3A_834 = arith.cmpi slt, %rem3A_828, %lt3A_833 : vector<16xi32>
      %lt3A_835 = arith.constant 0 : i32
      %lt3A_836 = arith.cmpi slt, %select_n3A_826, %lt3A_835 : i32
      %ne3A_837 = vector.broadcast %lt3A_836 : i1 to vector<16xi1>
      %ne3A_838 = vector.broadcast %ne3A_837 : vector<16xi1> to vector<16xi1>
      %ne3A_839 = arith.xori %lt3A_834, %ne3A_838 : vector<16xi1>
      %and3A_840 = arith.andi %ne3A_839, %ne3A_831 : vector<16xi1>
      %add3A_841 = vector.broadcast %select_n3A_826 : i32 to vector<16xi32>
      %add3A_842 = arith.addi %rem3A_828, %add3A_841 : vector<16xi32>
      %select_n3A_843 = arith.select %and3A_840, %add3A_842, %rem3A_828 : vector<16xi1>, vector<16xi32>
      %lt3A_844 = arith.constant 0 : i32
      %lt3A_845 = vector.broadcast %lt3A_844 : i32 to vector<16xi32>
      %lt3A_846 = arith.cmpi slt, %select_n3A_843, %lt3A_845 : vector<16xi32>
      %add3A_847 = arith.constant 16 : i32
      %add3A_848 = vector.broadcast %add3A_847 : i32 to vector<16xi32>
      %add3A_849 = arith.addi %select_n3A_843, %add3A_848 : vector<16xi32>
      %select_n3A_850 = arith.select %lt3A_846, %add3A_849, %select_n3A_843 : vector<16xi1>, vector<16xi32>
      %broadcast_in_dim3A_851 = vector.shape_cast %select_n3A_850 : vector<16xi32> to vector<16x1xi32>
      %gather3A_852 = vector.shape_cast %broadcast_in_dim3A_851 : vector<16x1xi32> to vector<16xi32>
      %gather3A_853 = tpu.dynamic_gather %add3A_818[%gather3A_852] in [0] : vector<16xf32>, vector<16xi32> -> vector<16xf32>
      %add3A_854 = arith.addf %add3A_818, %gather3A_853 : vector<16xf32>
      %add3A_855 = arith.constant 2 : i32
      %add3A_856 = vector.broadcast %add3A_855 : i32 to vector<16xi32>
      %add3A_857 = arith.addi %iota3A_782, %add3A_856 : vector<16xi32>
      %jit3A_858 = arith.constant 16 : i32
      %eq3A_859 = arith.constant 0 : i32
      %eq3A_860 = arith.cmpi eq, %jit3A_858, %eq3A_859 : i32
      %jit3A_861 = arith.constant 1 : i32
      %select_n3A_862 = arith.select %eq3A_860, %jit3A_861, %jit3A_858 : i32
      %rem3A_863 = vector.broadcast %select_n3A_862 : i32 to vector<16xi32>
      %rem3A_864 = arith.remsi %add3A_857, %rem3A_863 : vector<16xi32>
      %ne3A_865 = arith.constant 0 : i32
      %ne3A_866 = vector.broadcast %ne3A_865 : i32 to vector<16xi32>
      %ne3A_867 = arith.cmpi ne, %rem3A_864, %ne3A_866 : vector<16xi32>
      %lt3A_868 = arith.constant 0 : i32
      %lt3A_869 = vector.broadcast %lt3A_868 : i32 to vector<16xi32>
      %lt3A_870 = arith.cmpi slt, %rem3A_864, %lt3A_869 : vector<16xi32>
      %lt3A_871 = arith.constant 0 : i32
      %lt3A_872 = arith.cmpi slt, %select_n3A_862, %lt3A_871 : i32
      %ne3A_873 = vector.broadcast %lt3A_872 : i1 to vector<16xi1>
      %ne3A_874 = vector.broadcast %ne3A_873 : vector<16xi1> to vector<16xi1>
      %ne3A_875 = arith.xori %lt3A_870, %ne3A_874 : vector<16xi1>
      %and3A_876 = arith.andi %ne3A_875, %ne3A_867 : vector<16xi1>
      %add3A_877 = vector.broadcast %select_n3A_862 : i32 to vector<16xi32>
      %add3A_878 = arith.addi %rem3A_864, %add3A_877 : vector<16xi32>
      %select_n3A_879 = arith.select %and3A_876, %add3A_878, %rem3A_864 : vector<16xi1>, vector<16xi32>
      %lt3A_880 = arith.constant 0 : i32
      %lt3A_881 = vector.broadcast %lt3A_880 : i32 to vector<16xi32>
      %lt3A_882 = arith.cmpi slt, %select_n3A_879, %lt3A_881 : vector<16xi32>
      %add3A_883 = arith.constant 16 : i32
      %add3A_884 = vector.broadcast %add3A_883 : i32 to vector<16xi32>
      %add3A_885 = arith.addi %select_n3A_879, %add3A_884 : vector<16xi32>
      %select_n3A_886 = arith.select %lt3A_882, %add3A_885, %select_n3A_879 : vector<16xi1>, vector<16xi32>
      %broadcast_in_dim3A_887 = vector.shape_cast %select_n3A_886 : vector<16xi32> to vector<16x1xi32>
      %gather3A_888 = vector.shape_cast %broadcast_in_dim3A_887 : vector<16x1xi32> to vector<16xi32>
      %gather3A_889 = tpu.dynamic_gather %add3A_854[%gather3A_888] in [0] : vector<16xf32>, vector<16xi32> -> vector<16xf32>
      %add3A_890 = arith.addf %add3A_854, %gather3A_889 : vector<16xf32>
      %add3A_891 = arith.constant 1 : i32
      %add3A_892 = vector.broadcast %add3A_891 : i32 to vector<16xi32>
      %add3A_893 = arith.addi %iota3A_782, %add3A_892 : vector<16xi32>
      %jit3A_894 = arith.constant 16 : i32
      %eq3A_895 = arith.constant 0 : i32
      %eq3A_896 = arith.cmpi eq, %jit3A_894, %eq3A_895 : i32
      %jit3A_897 = arith.constant 1 : i32
      %select_n3A_898 = arith.select %eq3A_896, %jit3A_897, %jit3A_894 : i32
      %rem3A_899 = vector.broadcast %select_n3A_898 : i32 to vector<16xi32>
      %rem3A_900 = arith.remsi %add3A_893, %rem3A_899 : vector<16xi32>
      %ne3A_901 = arith.constant 0 : i32
      %ne3A_902 = vector.broadcast %ne3A_901 : i32 to vector<16xi32>
      %ne3A_903 = arith.cmpi ne, %rem3A_900, %ne3A_902 : vector<16xi32>
      %lt3A_904 = arith.constant 0 : i32
      %lt3A_905 = vector.broadcast %lt3A_904 : i32 to vector<16xi32>
      %lt3A_906 = arith.cmpi slt, %rem3A_900, %lt3A_905 : vector<16xi32>
      %lt3A_907 = arith.constant 0 : i32
      %lt3A_908 = arith.cmpi slt, %select_n3A_898, %lt3A_907 : i32
      %ne3A_909 = vector.broadcast %lt3A_908 : i1 to vector<16xi1>
      %ne3A_910 = vector.broadcast %ne3A_909 : vector<16xi1> to vector<16xi1>
      %ne3A_911 = arith.xori %lt3A_906, %ne3A_910 : vector<16xi1>
      %and3A_912 = arith.andi %ne3A_911, %ne3A_903 : vector<16xi1>
      %add3A_913 = vector.broadcast %select_n3A_898 : i32 to vector<16xi32>
      %add3A_914 = arith.addi %rem3A_900, %add3A_913 : vector<16xi32>
      %select_n3A_915 = arith.select %and3A_912, %add3A_914, %rem3A_900 : vector<16xi1>, vector<16xi32>
      %lt3A_916 = arith.constant 0 : i32
      %lt3A_917 = vector.broadcast %lt3A_916 : i32 to vector<16xi32>
      %lt3A_918 = arith.cmpi slt, %select_n3A_915, %lt3A_917 : vector<16xi32>
      %add3A_919 = arith.constant 16 : i32
      %add3A_920 = vector.broadcast %add3A_919 : i32 to vector<16xi32>
      %add3A_921 = arith.addi %select_n3A_915, %add3A_920 : vector<16xi32>
      %select_n3A_922 = arith.select %lt3A_918, %add3A_921, %select_n3A_915 : vector<16xi1>, vector<16xi32>
      %broadcast_in_dim3A_923 = vector.shape_cast %select_n3A_922 : vector<16xi32> to vector<16x1xi32>
      %gather3A_924 = vector.shape_cast %broadcast_in_dim3A_923 : vector<16x1xi32> to vector<16xi32>
      %gather3A_925 = tpu.dynamic_gather %add3A_890[%gather3A_924] in [0] : vector<16xf32>, vector<16xi32> -> vector<16xf32>
      %add3A_926 = arith.addf %add3A_890, %gather3A_925 : vector<16xf32>
      %max3A_927 = arith.constant 1.000000e-30 : f32
      %max3A_928 = vector.broadcast %max3A_927 : f32 to vector<16xf32>
      %max3A_929 = arith.maximumf %add3A_926, %max3A_928 : vector<16xf32>
      %bitcast_convert_type3A_930 = tpu.bitcast %max3A_929 : vector<16xf32> -> vector<16xi32>
      %shift_right_arithmetic3A_931 = arith.constant 1 : i32
      %shift_right_arithmetic3A_932 = vector.broadcast %shift_right_arithmetic3A_931 : i32 to vector<16xi32>
      %shift_right_arithmetic3A_933 = arith.shrsi %bitcast_convert_type3A_930, %shift_right_arithmetic3A_932 : vector<16xi32>
      %sub3A_934 = arith.constant 1597463007 : i32
      %sub3A_935 = vector.broadcast %sub3A_934 : i32 to vector<16xi32>
      %sub3A_936 = arith.subi %sub3A_935, %shift_right_arithmetic3A_933 : vector<16xi32>
      %bitcast_convert_type3A_937 = tpu.bitcast %sub3A_936 : vector<16xi32> -> vector<16xf32>
      %mul3A_938 = arith.constant 5.000000e-01 : f32
      %mul3A_939 = vector.broadcast %mul3A_938 : f32 to vector<16xf32>
      %mul3A_940 = arith.mulf %mul3A_939, %max3A_929 : vector<16xf32>
      %mul3A_941 = arith.mulf %mul3A_940, %bitcast_convert_type3A_937 : vector<16xf32>
      %mul3A_942 = arith.mulf %mul3A_941, %bitcast_convert_type3A_937 : vector<16xf32>
      %sub3A_943 = arith.constant 1.500000e+00 : f32
      %sub3A_944 = vector.broadcast %sub3A_943 : f32 to vector<16xf32>
      %sub3A_945 = arith.subf %sub3A_944, %mul3A_942 : vector<16xf32>
      %mul3A_946 = arith.mulf %bitcast_convert_type3A_937, %sub3A_945 : vector<16xf32>
      %mul3A_947 = arith.constant 5.000000e-01 : f32
      %mul3A_948 = vector.broadcast %mul3A_947 : f32 to vector<16xf32>
      %mul3A_949 = arith.mulf %mul3A_948, %max3A_929 : vector<16xf32>
      %mul3A_950 = arith.mulf %mul3A_949, %mul3A_946 : vector<16xf32>
      %mul3A_951 = arith.mulf %mul3A_950, %mul3A_946 : vector<16xf32>
      %sub3A_952 = arith.constant 1.500000e+00 : f32
      %sub3A_953 = vector.broadcast %sub3A_952 : f32 to vector<16xf32>
      %sub3A_954 = arith.subf %sub3A_953, %mul3A_951 : vector<16xf32>
      %mul3A_955 = arith.mulf %mul3A_946, %sub3A_954 : vector<16xf32>
      %mul3A_956 = arith.constant 5.000000e-01 : f32
      %mul3A_957 = vector.broadcast %mul3A_956 : f32 to vector<16xf32>
      %mul3A_958 = arith.mulf %mul3A_957, %max3A_929 : vector<16xf32>
      %mul3A_959 = arith.mulf %mul3A_958, %mul3A_955 : vector<16xf32>
      %mul3A_960 = arith.mulf %mul3A_959, %mul3A_955 : vector<16xf32>
      %sub3A_961 = arith.constant 1.500000e+00 : f32
      %sub3A_962 = vector.broadcast %sub3A_961 : f32 to vector<16xf32>
      %sub3A_963 = arith.subf %sub3A_962, %mul3A_960 : vector<16xf32>
      %mul3A_964 = arith.mulf %mul3A_955, %sub3A_963 : vector<16xf32>
      %min3A_965 = arith.constant 9.99999995E+11 : f32
      %min3A_966 = vector.broadcast %min3A_965 : f32 to vector<16xf32>
      %min3A_967 = arith.minimumf %mul3A_964, %min3A_966 : vector<16xf32>
      %mul3A_968 = arith.mulf %get3A_762, %min3A_967 : vector<16xf32>
      %swap3A_969 = arith.index_cast %scan3A_758 : i32 to index
      %swap3A_970 = arith.constant 0 : index
      %swap3A_971 = tpu.vector_load %arg6[%swap3A_969, %swap3A_970] {strides = array<i32>} : memref<512x64xf32, #tpu.memory_space<vmem>>, vector<1x16xf32>,
      %swap3A_972 = vector.shape_cast %swap3A_971 : vector<1x16xf32> to vector<16xf32>
      %swap3A_973 = vector.shape_cast %mul3A_968 : vector<16xf32> to vector<1x16xf32>
      tpu.vector_store %arg6[%swap3A_969, %swap3A_970], %swap3A_973 {strides = array<i32>} : memref<512x64xf32, #tpu.memory_space<vmem>>, vector<1x16xf32>,
      %mul3A_974 = arith.mulf %get3A_766, %min3A_967 : vector<16xf32>
      %swap3A_975 = arith.index_cast %scan3A_758 : i32 to index
      %swap3A_976 = arith.constant 16 : index
      %swap3A_977 = tpu.vector_load %arg6[%swap3A_975, %swap3A_976] {strides = array<i32>} : memref<512x64xf32, #tpu.memory_space<vmem>>, vector<1x16xf32>,
      %swap3A_978 = vector.shape_cast %swap3A_977 : vector<1x16xf32> to vector<16xf32>
      %swap3A_979 = vector.shape_cast %mul3A_974 : vector<16xf32> to vector<1x16xf32>
      tpu.vector_store %arg6[%swap3A_975, %swap3A_976], %swap3A_979 {strides = array<i32>} : memref<512x64xf32, #tpu.memory_space<vmem>>, vector<1x16xf32>,
      %mul3A_980 = arith.mulf %get3A_770, %min3A_967 : vector<16xf32>
      %swap3A_981 = arith.index_cast %scan3A_758 : i32 to index
      %swap3A_982 = arith.constant 32 : index
      %swap3A_983 = tpu.vector_load %arg6[%swap3A_981, %swap3A_982] {strides = array<i32>} : memref<512x64xf32, #tpu.memory_space<vmem>>, vector<1x16xf32>,
      %swap3A_984 = vector.shape_cast %swap3A_983 : vector<1x16xf32> to vector<16xf32>
      %swap3A_985 = vector.shape_cast %mul3A_980 : vector<16xf32> to vector<1x16xf32>
      tpu.vector_store %arg6[%swap3A_981, %swap3A_982], %swap3A_985 {strides = array<i32>} : memref<512x64xf32, #tpu.memory_space<vmem>>, vector<1x16xf32>,
      %mul3A_986 = arith.mulf %get3A_774, %min3A_967 : vector<16xf32>
      %swap3A_987 = arith.index_cast %scan3A_758 : i32 to index
      %swap3A_988 = arith.constant 48 : index
      %swap3A_989 = tpu.vector_load %arg6[%swap3A_987, %swap3A_988] {strides = array<i32>} : memref<512x64xf32, #tpu.memory_space<vmem>>, vector<1x16xf32>,
      %swap3A_990 = vector.shape_cast %swap3A_989 : vector<1x16xf32> to vector<16xf32>
      %swap3A_991 = vector.shape_cast %mul3A_986 : vector<16xf32> to vector<1x16xf32>
      tpu.vector_store %arg6[%swap3A_987, %swap3A_988], %swap3A_991 {strides = array<i32>} : memref<512x64xf32, #tpu.memory_space<vmem>>, vector<1x16xf32>,
    }
    %scan3A_69 = arith.constant 512 : i32
    "tpu.region"() ({
      %run_scoped3A = tpu.sem_alloc : memref<!tpu.dma_semaphore, #tpu.memory_space<semaphore_mem>>
      %dma_start3A_70 = arith.constant 0 : i32
      %dma_start3A_71 = tpu.memref_slice %arg4[%mul3A_2, %dma_start3A_70] : memref<16384x64xf32, #tpu.memory_space<hbm>> -> memref<512x64xf32, #tpu.memory_space<hbm>>
      %dma_start3A_72 = arith.constant 0 : i32
      %dma_start3A_73 = tpu.memref_slice %arg4[%mul3A_2, %dma_start3A_72] : memref<16384x64xf32, #tpu.memory_space<hbm>> -> memref<512x64xf32, #tpu.memory_space<hbm>>
      tpu.enqueue_dma source(%arg6 : memref<512x64xf32, #tpu.memory_space<vmem>>) target(%dma_start3A_73 : memref<512x64xf32, #tpu.memory_space<hbm>>) target_semaphore(%run_scoped3A : memref<!tpu.dma_semaphore, #tpu.memory_space<semaphore_mem>>)
      %dma_wait3A_74 = arith.constant 0 : i32
      %dma_wait3A_75 = tpu.memref_slice %arg4[%mul3A_2, %dma_wait3A_74] : memref<16384x64xf32, #tpu.memory_space<hbm>> -> memref<512x64xf32, #tpu.memory_space<hbm>>
      %dma_wait3A_76 = arith.constant 0 : i32
      %dma_wait3A_77 = tpu.memref_slice %arg4[%mul3A_2, %dma_wait3A_76] : memref<16384x64xf32, #tpu.memory_space<hbm>> -> memref<512x64xf32, #tpu.memory_space<hbm>>
      tpu.wait_dma2 semaphore(%run_scoped3A : memref<!tpu.dma_semaphore, #tpu.memory_space<semaphore_mem>>) src(%arg6 : memref<512x64xf32, #tpu.memory_space<vmem>>) dst(%dma_wait3A_77 : memref<512x64xf32, #tpu.memory_space<hbm>>)
      tpu.yield
    }) : () -> ()
    return
  }
}

</mosaic_0001>

<sc_bundles>
// kernel: kernel.3.cloned.1.call-start
scs
__scs_entry_jumppad:
0x0: {  	(pc) =	sbr.rel $0x88, $3  }
0x1: {  	(tag) =	ssettag $0x0;
	lr =	simm.s32 $0x1  }
0x2: {  	[smem:$0x3F9F] =	sst lr;
	_ =	strace $0xD0000000  }
0x3: {  	_ = 	snop  }
0x4: {  	_ = 	snop  }
0x5: {  	_ = 	snop  }
0x6: {  	_ = 	snop  }
0x7: {  	_ = 	snop  }
__scs_overlays_trampoline_lowered:
0x8: {  	[smem:$0x3FAE] =	sst s0  }
0x9: {  	[smem:$0x3FAF] =	sst s1  }
0xa: {  	[smem:$0x3FB0] =	sst s2  }
0xb: {  	[smem:$0x3FB1] =	sst s3  }
0xc: {  	[smem:$0x3FB2] =	sst s4  }
0xd: {  	[smem:$0x3FB3] =	sst s5  }
0xe: {  	[smem:$0x3FB4] =	sst s6  }
0xf: {  	[smem:$0x3FB5] =	sst s7  }
0x10: {  	[smem:$0x3FB6] =	sst s8  }
0x11: {  	[smem:$0x3FB7] =	sst s9;
	s0 =	simm.s32 @!p0 $0x0  }
0x12: {  	s1 =	sld [smem:$0x3F9D];
	s0 =	simm.s32 @p0 $0x1  }
0x13: {  	[smem:$0x3FB8] =	sst s0;
	s0 =	simm.s32 @!p1 $0x0  }
0x14: {  	s2 =	sld [smem:$0x3F9C];
	s0 =	simm.s32 @p1 $0x1  }
0x15: {  	[smem:$0x3FB9] =	sst s0;
	s0 =	simm.s32 @!p2 $0x0  }
0x16: {  	s3 =	sld [smem:$0x3FDB];
	s0 =	simm.s32 @p2 $0x1  }
0x17: {  	s4 =	simm.s32 $0x1BF5;
	[smem:$0x3FBB] =	sst s0  }
0x18: {  	s0 =	sld [smem:$0x3F9E];
	_ =	swait.ge [sflag:s4], $0x0  }
0x19: {  	s7 =	sld [smem:$0x3F9F]  }
0x1a: {  	s8 =	sadd.s32 $0xFFFFE003, lr  }
0x1b: {  	s9 =	sadd.s32 $0xFFFFFEF7, lr;
	s5 =	simm.s32 $0xFFFFFFFF;
	p2 =	slt.u32 s8, $0xFFFFF086  }
0x1c: {  	p1 =	slt.u32 s9, $0xF7A;
	s5 =	simm.s32 @!p2 $0x0  }
0x1d: {  	s5 =	simm.s32 @p1 $0x1;
	p0 =	seq.s32 s7, s2  }
0x1e: {  	s7 =	smul.u32 @!p0 $0xF7A, s2;
	p2 =	seq.s32 @!p0 s5, $0x0  }
0x1f: {  	s9 =	smul.u32 $0xF7A, s1;
	s8 =	simm.s32 @!p0 $0x1BF5;
	p2 =	por !p2, p0  }
0x20: {  	[sflag:s8] =	ssyncset.s32 @!p0 $0xFFFFF086;
	s6 =	sadd.s32 @!p0 s3, s7;
	s7 =	simm.s32 @!p0 $0x108  }
0x21: {  	s3 =	sadd.s32 s3, s9;
	s6 =	sadd.s32 @!p0 $0x88, s6;
	s7 =	simm.s32 @p2 $0x1082  }
0x22: {  	[simem:s7], [sflag:s8] =	dma.local @!p0 [hbm:s6], $0xF7A  }
0x23: {  	s9 =	sor.u32 $0xD0000000, s2;
	s6 =	simm.s32 $0x108;
	_ =	swait.ge @!p0 [sflag:s8], $0x0  }
0x24: {  	s3 =	sadd.s32 $0x88, s3;
	s6 =	simm.s32 @!p1 $0x1082;
	[sflag:s4] =	ssyncset.s32 $0xFFFFF086  }
0x25: {  	[simem:s6], [sflag:s4] =	dma.local [hbm:s3], $0xF7A  }
0x26: {  	[smem:$0x3F9F] =	sst s1;
	(tag) =	ssettag s2;
	_ =	strace s9  }
0x27: {  	s1 =	sld [smem:$0x3FAF]  }
0x28: {  	s2 =	sld [smem:$0x3FB0]  }
0x29: {  	s4 =	sld [smem:$0x3FB2]  }
0x2a: {  	p0 =	seq.s32 s5, $0x0;
	s5 =	sld [smem:$0x3FB3]  }
0x2b: {  	s6 =	sld [smem:$0x3FB4]  }
0x2c: {  	s7 =	sld [smem:$0x3FB5]  }
0x2d: {  	s3 =	simm.s32 $0x108;
	s8 =	sld [smem:$0x3FB6]  }
0x2e: {  	s3 =	simm.s32 @!p0 $0x1082;
	s9 =	sld [smem:$0x3FB7]  }
0x2f: {  	lr =	sadd.s32 s0, s3;
	s0 =	sld [smem:$0x3FAE]  }
0x30: {  	s3 =	sld [smem:$0x3FB1]  }
0x31: {  	[smem:$0x3FBA] =	sst s10  }
0x32: {  	s10 =	sld [smem:$0x3FB8];
	_ =	sdelay $0x3  }
0x33: {  	p0 =	seq.s32 s10, $0x1;
	s10 =	sld [smem:$0x3FBA];
	_ =	sdelay $0x3  }
0x34: {  	[smem:$0x3FBA] =	sst s10  }
0x35: {  	s10 =	sld [smem:$0x3FB9];
	_ =	sdelay $0x3  }
0x36: {  	p1 =	seq.s32 s10, $0x1;
	s10 =	sld [smem:$0x3FBA];
	_ =	sdelay $0x3  }
0x37: {  	[smem:$0x3FBA] =	sst s10  }
0x38: {  	s10 =	sld [smem:$0x3FBB]  }
0x39: {  	_ = 	snop;
	(pc) =	sbr.ind lr, $3  }
0x3a: {  	_ = 	snop  }
0x3b: {  	_ = 	snop  }
0x3c: {  	p2 =	seq.s32 s10, $0x1;
	s10 =	sld [smem:$0x3FBA]  }
0x3d: {  	_ =	shalt  }
0x3e: {  	_ =	shalt  }
0x3f: {  	_ =	shalt  }
0x40: {  	_ =	shalt  }
0x41: {  	_ =	shalt  }
0x42: {  	_ =	shalt  }
0x43: {  	_ =	shalt  }
0x44: {  	_ =	shalt  }
0x45: {  	_ =	shalt  }
0x46: {  	_ =	shalt  }
0x47: {  	_ =	shalt  }
0x48: {  	_ =	shalt  }
0x49: {  	_ =	shalt  }
0x4a: {  	_ =	shalt  }
0x4b: {  	_ =	shalt  }
0x4c: {  	_ =	shalt  }
0x4d: {  	_ =	shalt  }
0x4e: {  	_ =	shalt  }
0x4f: {  	_ =	shalt  }
0x50: {  	_ =	shalt  }
0x51: {  	_ =	shalt  }
0x52: {  	_ =	shalt  }
0x53: {  	_ =	shalt  }
0x54: {  	_ =	shalt  }
0x55: {  	_ =	shalt  }
0x56: {  	_ =	shalt  }
0x57: {  	_ =	shalt  }
0x58: {  	_ =	shalt  }
0x59: {  	_ =	shalt  }
0x5a: {  	_ =	shalt  }
0x5b: {  	_ =	shalt  }
0x5c: {  	_ =	shalt  }
0x5d: {  	_ =	shalt  }
0x5e: {  	_ =	shalt  }
0x5f: {  	_ =	shalt  }
0x60: {  	_ =	shalt  }
0x61: {  	_ =	shalt  }
0x62: {  	_ =	shalt  }
0x63: {  	_ =	shalt  }
0x64: {  	_ =	shalt  }
0x65: {  	_ =	shalt  }
0x66: {  	_ =	shalt  }
0x67: {  	_ =	shalt  }
0x68: {  	_ =	shalt  }
0x69: {  	_ =	shalt  }
0x6a: {  	_ =	shalt  }
0x6b: {  	_ =	shalt  }
0x6c: {  	_ =	shalt  }
0x6d: {  	_ =	shalt  }
0x6e: {  	_ =	shalt  }
0x6f: {  	_ =	shalt  }
0x70: {  	_ =	shalt  }
0x71: {  	_ =	shalt  }
0x72: {  	_ =	shalt  }
0x73: {  	_ =	shalt  }
0x74: {  	_ =	shalt  }
0x75: {  	_ =	shalt  }
0x76: {  	_ =	shalt  }
0x77: {  	_ =	shalt  }
0x78: {  	_ =	shalt  }
0x79: {  	_ =	shalt  }
0x7a: {  	_ =	shalt  }
0x7b: {  	_ =	shalt  }
0x7c: {  	_ =	shalt  }
0x7d: {  	_ =	shalt  }
0x7e: {  	_ =	shalt  }
0x7f: {  	_ =	shalt  }
0x80: {  	_ =	shalt  }
0x81: {  	_ =	shalt  }
0x82: {  	_ =	shalt  }
0x83: {  	_ =	shalt  }
0x84: {  	_ =	shalt  }
0x85: {  	_ =	shalt  }
0x86: {  	_ =	shalt  }
0x87: {  	_ =	shalt  }
.Lfunc_end0:
.L_simem_size_0:
called_computation_lowered:
.L_overlay_start_0:
0x88: {  	s2 =	sld [smem:$0x3FD9]  }
0x89: {  	s3 =	sld [smem:$0x3FFE];
	_ =	sdelay $0x1  }
0x8a: {  	s1 =	srdreg.scid  }
0x8b: {  	s0 =	sand.u32 $0x1, s1  }
0x8c: {  	s17 =	sshll.u32 s0, $0xA;
	s2 =	sadd.s32 s3, s2  }
0x8d: {  	s2 =	sadd.s32 s2, s17  }
0x8e: {  	[smem:$0x3FC6] =	sst s2  }
0x8f: {  	_ = 	snop  }
0x90: {  	s2 =	sld [smem:$0x3FC9]  }
0x91: {  	s18 =	sld [smem:$0x3FD0];
	(tm) =	ssettm $0x1  }
0x92: {  	s4 =	sld [smem:$0x3FFB];
	_ =	sdelay $0x3  }
0x93: {  	_ =	strace s4  }
0x94: {  	s4 =	sld [smem:$0x3FFC];
	_ =	sdelay $0x3  }
0x95: {  	_ =	strace s4  }
0x96: {  	s4 =	sld [smem:$0x3FFD];
	_ =	sdelay $0x3  }
0x97: {  	_ =	strace s4  }
0x98: {  	_ =	strace $0x8FFFFFFF  }
0x99: {  	s19 =	sld [smem:$0x3FDB];
	_ =	sdelay $0x1  }
0x9a: {  	s5 =	simm.s32 $_scs_section_size  }
0x9b: {  	s6 =	simm.s32 $_size__tile_overlayer_lowered;
	s7 =	simm.s32 $_tile_overlayer_lowered  }
0x9c: {  	s22 =	simm.s32 $0x1BFF;
	s21 =	sshll.u32 s7, $0x1;
	s4 =	sadd.s32 s5, s19  }
0x9d: {  	s8 =	simm.s32 $0x0;
	s20 =	sshll.u32 s6, $0x1;
	s6 =	sadd.s32 s21, s4  }
0x9e: {  	[timem:s8], [sflag:s22] =	dma.local [hbm:s6], s20  }
0x9f: {  	_ =	swait.ge [sflag:s22], s20  }
0xa0: {  	s5 =	ssub.s32 $0x0, s20;
	[sflag:s22] =	ssyncset.done $0x0  }
0xa1: {  	[sflag:s22] =	ssyncadd.s32 s5;
	_ =	sdelay $0x1  }
0xa2: {  	s23 =	simm.s32 $0x1B8B  }
0xa3: {  	_ =	swait.ge [sflag:s23], $0x1  }
0xa4: {  	[sflag:s23] =	ssyncset.done $0x0  }
0xa5: {  	s25 =	simm.s32 $0x1B8E;
	s24 =	sld [smem:$0x3FFE];
	[sflag:s23] =	ssyncadd.s32 $0xFFFFFFFF  }
0xa6: {  	s26 =	simm.s32 $execute0_lowered;
	[smem:$0x3FD2] =	sst s25  }
0xa7: {  	s6 =	sshll.u32 s26, $0x1;
	_ =	strace $0x80000046;
	[dreg:$0x1] =	wrdreg $0xFFFFFFFF  }
0xa8: {  	s28 =	simm.s32 $_size_execute0_lowered;
	s4 =	sadd.s32 s4, s6;
	[dreg:$0x0] =	wrdreg $0x0  }
0xa9: {  	s6 =	sshll.u32 s28, $0x1;
	[dreg:$0x2] =	wrdreg s4  }
0xaa: {  	[dreg:$0x3] =	wrdreg s6  }
0xab: {  	[dreg:$0x4] =	wrdreg $0xC0  }
0xac: {  	_ =	task [dreg:s8], $0x5FFFF  }
0xad: {  	[dreg:$0x1] =	wrdreg $0xFFFFFFFF  }
0xae: {  	[dreg:$0x0] =	wrdreg $0x60  }
0xaf: {  	[dreg:$0x2] =	wrdreg s24  }
0xb0: {  	[dreg:$0x3] =	wrdreg s2  }
0xb1: {  	[dreg:$0x4] =	wrdreg s18  }
0xb2: {  	[dreg:$0x5] =	wrdreg $0x9  }
0xb3: {  	_ =	task.clear_ibuf [dreg:s8], $0x6FFFF;
	_ =	strace $0x90000046  }
0xb4: {  	s29 =	simm.s32 $0x9;
	_ =	strace $0x80000048  }
0xb5: {  	_ =	swait.ge [sflag:s29], $0x1  }
0xb6: {  	[sflag:s29] =	ssyncadd.s32 $0xFFFFFFFF  }
0xb7: {  	_ =	strace $0x90000048  }
0xb8: {  	_ =	sfence  }
0xb9: {  	s30 =	sld [smem:$0x0];
	_ =	sdelay $0x2  }
0xba: {  	s31 =	sshll.u32 s1, $0xD;
	s1 =	sshrl.u32 s1, $0x2  }
0xbb: {  	s3 =	sand.u32 $0x4000, s31;
	s1 =	sadd.s32 s1, s30  }
0xbc: {  	s0 =	sor.u32 s3, s0;
	s1 =	sshll.u32 s1, $0x11  }
0xbd: {  	s0 =	sor.u32 s1, s0  }
0xbe: {  	s0 =	sadd.s32 $0x8F2B, s0  }
0xbf: {  	[sflag:s0] =	ssyncadd.remote.s32 $0x1  }
0xc0: {  	_ =	sfence.sel $0xFFFF  }
0xc1: {  	[dreg:$0x0] =	wrdreg $0xFFFFFFFF;
	(pc) =	sbr.abs _section_cstart, $3  }
0xc2: {  	[dreg:$0x1] =	wrdreg $0xFFFFFFFF  }
0xc3: {  	_ =	task.clear_ibuf [dreg:s8], $0x2FFFF;
	_ =	strace $0x9FFFFFFF  }
0xc4: {  	(tm) =	ssettm $0x7FFFFFFF  }
0xc5: {  	_ =	shalt  }
tec
execute0_lowered:
.L_overlay_start_1:
0x0: {  	(tag) =	ssettag $0x1  }
0x1: {  	v0 =	vimm.s32 $0xFEDCBA98;
	s3 =	rddreg [dreg:$0x0];
	v1 =	vimm.s32 $0x76543210  }
0x2: {  	s4 =	rddreg [dreg:$0x1];
	v2 =	vimm.s32 $0x3210FEDC;
	v3 =	vimm.s32 $0xBA987654;
	v4 =	vimm.s32 $0x10FEDCBA  }
0x3: {  	s5 =	rddreg [dreg:$0x2];
	s2 =	srdreg.scid;
	s1 =	simm.s32 $0x0;
	v5 =	vimm.s32 $0x98765432;
	v6 =	vimm.s32 $0xFEDCBA9;
	v7 =	vimm.s32 $0x87654321  }
0x4: {  	s0 =	stileid.u32;
	s10 =	simm.s32 $0x2200;
	s11 =	simm.s32 $0x100;
	v0 =	vunpack.c.l.s4.s8 v0;
	v1 =	vunpack.c.l.s4.s8 v1;
	v2 =	vunpack.c.l.s4.s8 v2  }
0x5: {  	s12 =	simm.s32 $0x4200;
	s13 =	simm.s32 $0x180;
	s14 =	simm.s32 $0x6200;
	v3 =	vunpack.c.l.s4.s8 v3;
	v4 =	vunpack.c.l.s4.s8 v4;
	v5 =	vunpack.c.l.s4.s8 v5  }
0x6: {  	s15 =	simm.s32 $0x1;
	s16 =	simm.s32 $0x0;
	[smem:$0x7FF] =	sst s1;
	v6 =	vunpack.c.l.s4.s8 v6;
	v7 =	vunpack.c.l.s4.s8 v7;
	v0 =	vunpack.c.0.s8.s32 v0  }
0x7: {  	s6 =	sand.u32 $0x1, s2;
	s7 =	sshll.u32 s0, $0xA;
	s2 =	rddreg [dreg:$0x3];
	v2 =	vunpack.c.0.s8.s32 v2;
	v3 =	vunpack.c.0.s8.s32 v3;
	v4 =	vunpack.c.0.s8.s32 v4  }
0x8: {  	s3 =	sadd.s32 $0xF42800, s3;
	s8 =	sshll.u32 s6, $0x9;
	s6 =	ssub.s32 $0x2, s6;
	v5 =	vunpack.c.0.s8.s32 v5;
	v6 =	vunpack.c.0.s8.s32 v6;
	v7 =	vunpack.c.0.s8.s32 v7  }
0x9: {  	_ =	strace $0x80000047;
	s7 =	sor.u32 s8, s7;
	s31 =	sshrl.u32 s6, $0x1;
	v1 =	vunpack.c.0.s8.s32 v1;
	v2 =	vcombine.low v3, v2  }
0xa: {  	s8 =	simm.s32 $0x80;
	s9 =	sshrl.u32 s7, $0x3;
	s7 =	sshll.u32 s7, $0x3;
	v3 =	vcombine.low v5, v4;
	v4 =	vcombine.low v7, v6;
	v0 =	vand.u32 $0xF, v0  }
0xb: {  	s6 =	ssub.s32 s6, s31;
	s4 =	sadd.s32 s4, s9;
	s5 =	sadd.s32 s5, s7;
	v0 =	vcombine.low v0, v1  }
0xc: {  	s6 =	smax.u32 s6, $0x1;
	s7 =	simm.s32 $0x2;
	s9 =	simm.s32 $0x200;
	v1 =	vand.u32 $0xF, v2;
	v2 =	vand.u32 $0xF, v3;
	v3 =	vand.u32 $0xF, v4  }
.LBB2_1:
0xd: {  	[tilespmem:s1], [sflag:$0x2] =	stream.linear.gather [hbm4b:s4+s1], $0x200, $0x38;
	[tilespmem:$0x8200] =	vst v63  }
0xe: {  	_ =	swait.ge [sflag:s7], $0x200  }
0xf: {  	[sflag:s7] =	ssyncset.done $0x0  }
0x10: {  	[sflag:s7] =	ssyncadd.s32 $0xFFFFFE00  }
0x11: {  	[tilespmem:s9], [sflag:$0x1] =	stream.indirect.gather [hbm4b:s3+s8], $0x40, s1, s8, $0xb8;
	[tilespmem:$0x8200] =	vst v63  }
0x12: {  	_ = 	snop  }
0x13: {  	[tilespmem:s10], [sflag:$0x1] =	stream.indirect.gather [hbm4b:s3+s8], $0x40, s8, s8, $0xb8;
	[tilespmem:$0x8200] =	vst v63  }
0x14: {  	_ = 	snop  }
0x15: {  	[tilespmem:s12], [sflag:$0x1] =	stream.indirect.gather [hbm4b:s3+s8], $0x40, s11, s8, $0xb8;
	[tilespmem:$0x8200] =	vst v63  }
0x16: {  	_ = 	snop  }
0x17: {  	[tilespmem:s14], [sflag:$0x1] =	stream.indirect.gather [hbm4b:s3+s8], $0x40, s13, s8, $0xb8;
	[tilespmem:$0x8200] =	vst v63  }
0x18: {  	_ =	swait.ge [sflag:s15], $0x2000  }
0x19: {  	[sflag:s15] =	ssyncset.done $0x0  }
0x1a: {  	[sflag:s15] =	ssyncadd.s32 $0xFFFFE000  }
0x1b: {  	_ =	swait.ge [sflag:s15], $0x2000  }
0x1c: {  	[sflag:s15] =	ssyncset.done $0x0  }
0x1d: {  	[sflag:s15] =	ssyncadd.s32 $0xFFFFE000  }
0x1e: {  	_ =	swait.ge [sflag:s15], $0x2000  }
0x1f: {  	[sflag:s15] =	ssyncset.done $0x0  }
0x20: {  	[sflag:s15] =	ssyncadd.s32 $0xFFFFE000  }
0x21: {  	_ =	swait.ge [sflag:s15], $0x2000  }
0x22: {  	[sflag:s15] =	ssyncset.done $0x0  }
0x23: {  	s17 =	simm.s32 $0x280;
	[sflag:s15] =	ssyncadd.s32 $0xFFFFE000  }
0x24: {  	v19 =	vld [tilespmem:s17+$0xFFFFFFC0]  }
0x25: {  	v18 =	vld [tilespmem:s17+$0xFFFFFFD0]  }
0x26: {  	v17 =	vld [tilespmem:s17+$0xFFFFFFE0]  }
0x27: {  	v7 =	vld [tilespmem:s17+$0x10]  }
0x28: {  	v5 =	vld [tilespmem:s17+$0x0]  }
0x29: {  	v10 =	vld [tilespmem:s17+$0xFFFFFFF0]  }
0x2a: {  	v14 =	vld [tilespmem:s17+$0x20]  }
0x2b: {  	v8 =	vld [tilespmem:s17+$0x40];
	v4 =	vmul.f32 v18, v18;
	v6 =	vmul.f32 v19, v19  }
0x2c: {  	v9 =	vld [tilespmem:s17+$0x50];
	v11 =	vmul.f32 v17, v17  }
0x2d: {  	v12 =	vld [tilespmem:s17+$0x30];
	v15 =	vmul.f32 v7, v7;
	v16 =	vmul.f32 v5, v5;
	v4 =	vadd.f32 v4, v6  }
0x2e: {  	v6 =	vld [tilespmem:s17+$0x60]  }
0x2f: {  	v16 =	vadd.f32 v15, v16;
	v15 =	vld [tilespmem:s17+$0xFFFFFF90];
	v4 =	vadd.f32 v11, v4;
	v11 =	vmul.f32 v10, v10  }
0x30: {  	v13 =	vld [tilespmem:s17+$0x70];
	v20 =	vmul.f32 v14, v14  }
0x31: {  	v22 =	vmul.f32 v9, v9;
	v21 =	vadd.f32 v11, v4;
	v4 =	vld [tilespmem:s17+$0xFFFFFF80];
	v11 =	vmul.f32 v8, v8  }
0x32: {  	v23 =	vmul.f32 v12, v12;
	v16 =	vadd.f32 v20, v16  }
0x33: {  	v24 =	vmul.f32 v6, v6;
	v20 =	vperm.xlane v21, v0;
	v22 =	vadd.f32 v22, v11;
	v11 =	vld [tilespmem:s17+$0xFFFFFFA0]  }
0x34: {  	v23 =	vadd.f32 v23, v16;
	v27 =	vmul.f32 v15, v15  }
0x35: {  	v20 =	vadd.f32 v21, v20;
	v21 =	vmul.f32 v13, v13;
	v22 =	vadd.f32 v24, v22  }
0x36: {  	v16 =	vld [tilespmem:s17+$0xFFFFFFB0];
	v24 =	vperm.xlane v23, v0;
	v26 =	vmul.f32 v4, v4  }
0x37: {  	v25 =	vperm.xlane v20, v1;
	v21 =	vadd.f32 v21, v22  }
0x38: {  	v22 =	vadd.f32 v23, v24;
	v23 =	vmul.f32 v11, v11;
	v24 =	vadd.f32 v27, v26  }
0x39: {  	v20 =	vadd.f32 v20, v25;
	v25 =	vperm.xlane v21, v0  }
0x3a: {  	v26 =	vperm.xlane v22, v1;
	v23 =	vadd.f32 v23, v24  }
0x3b: {  	v24 =	vmul.f32 v16, v16;
	v27 =	vperm.xlane v20, v2;
	v21 =	vadd.f32 v21, v25  }
0x3c: {  	v22 =	vadd.f32 v22, v26  }
0x3d: {  	v23 =	vadd.f32 v24, v23;
	v20 =	vadd.f32 v20, v27;
	v24 =	vperm.xlane v21, v1  }
0x3e: {  	v25 =	vperm.xlane v22, v2  }
0x3f: {  	v27 =	vperm.xlane v23, v0;
	v26 =	vperm.xlane v20, v3;
	v21 =	vadd.f32 v21, v24  }
0x40: {  	v22 =	vadd.f32 v22, v25  }
0x41: {  	v23 =	vadd.f32 v23, v27;
	v20 =	vadd.f32 v20, v26;
	v24 =	vperm.xlane v21, v2  }
0x42: {  	v25 =	vperm.xlane v22, v3  }
0x43: {  	v26 =	vperm.xlane v23, v1;
	v20 =	vmax.f32 v20, $1.000000000e-30;
	v21 =	vadd.f32 v21, v24  }
0x44: {  	v24 =	vshra.s32 v20, $0x1;
	v27 =	vmul.f32 $5.000000000e-01, v20;
	v20 =	vadd.f32 v22, v25  }
0x45: {  	v22 =	vsub.s32 $0x5F3759DF, v24;
	v24 =	vperm.xlane v21, v3  }
0x46: {  	v23 =	vadd.f32 v23, v26;
	v25 =	vmul.f32 v22, v27;
	v20 =	vmax.f32 v20, $1.000000000e-30  }
0x47: {  	v26 =	vshra.s32 v20, $0x1;
	v28 =	vmul.f32 $5.000000000e-01, v20;
	v20 =	vadd.f32 v21, v24  }
0x48: {  	v21 =	vperm.xlane v23, v2;
	v24 =	vmul.f32 v22, v25;
	v25 =	vsub.s32 $0x5F3759DF, v26  }
0x49: {  	v26 =	vmul.f32 v25, v28  }
0x4a: {  	v20 =	vmax.f32 v20, $1.000000000e-30;
	v21 =	vadd.f32 v23, v21;
	v23 =	vsub.f32 $1.500000000e+00, v24  }
0x4b: {  	v24 =	vshra.s32 v20, $0x1;
	v29 =	vmul.f32 $5.000000000e-01, v20;
	v26 =	vmul.f32 v25, v26  }
0x4c: {  	v24 =	vsub.s32 $0x5F3759DF, v24;
	v20 =	vperm.xlane v21, v3;
	v22 =	vmul.f32 v22, v23  }
0x4d: {  	v23 =	vmul.f32 v24, v29  }
0x4e: {  	v26 =	vsub.f32 $1.500000000e+00, v26;
	v20 =	vadd.f32 v21, v20;
	v21 =	vmul.f32 v22, v27  }
0x4f: {  	v23 =	vmul.f32 v24, v23  }
0x50: {  	v25 =	vmul.f32 v25, v26;
	v20 =	vmax.f32 v20, $1.000000000e-30;
	v21 =	vmul.f32 v21, v22  }
0x51: {  	v26 =	vshra.s32 v20, $0x1;
	v20 =	vmul.f32 $5.000000000e-01, v20;
	v23 =	vsub.f32 $1.500000000e+00, v23  }
0x52: {  	v26 =	vsub.s32 $0x5F3759DF, v26;
	v30 =	vmul.f32 v25, v28;
	v21 =	vsub.f32 $1.500000000e+00, v21  }
0x53: {  	v31 =	vmul.f32 v26, v20;
	v23 =	vmul.f32 v24, v23  }
0x54: {  	v24 =	vmul.f32 v21, v22;
	v21 =	vmul.f32 v30, v25  }
0x55: {  	v22 =	vmul.f32 v26, v31;
	v62 =	vmul.f32 v23, v29  }
0x56: {  	v27 =	vmul.f32 v24, v27;
	v21 =	vsub.f32 $1.500000000e+00, v21  }
0x57: {  	v22 =	vsub.f32 $1.500000000e+00, v22;
	v30 =	vmul.f32 v62, v23  }
0x58: {  	v27 =	vmul.f32 v27, v24;
	v63 =	vmul.f32 v21, v25  }
0x59: {  	v22 =	vmul.f32 v26, v22;
	v21 =	vsub.f32 $1.500000000e+00, v30  }
0x5a: {  	v25 =	vsub.f32 $1.500000000e+00, v27;
	v26 =	vmul.f32 v63, v28  }
0x5b: {  	v27 =	vmul.f32 v22, v20;
	v21 =	vmul.f32 v21, v23  }
0x5c: {  	v23 =	vmul.f32 v25, v24;
	v24 =	vmul.f32 v26, v63  }
0x5d: {  	v25 =	vmul.f32 v21, v29;
	v27 =	vmul.f32 v27, v22  }
0x5e: {  	v23 =	vmin.f32 v23, $9.999999950e+11;
	v28 =	vsub.f32 $1.500000000e+00, v24  }
0x5f: {  	v24 =	vmul.f32 v25, v21;
	v27 =	vsub.f32 $1.500000000e+00, v27;
	v26 =	vmul.f32 v23, v19  }
0x60: {  	s18 =	simm.s32 $0x0;
	s19 =	simm.s32 $0x380;
	v25 =	vmul.f32 v23, v18;
	v19 =	vmul.f32 v28, v63  }
.LBB2_2:
0x61: {  	s18 =	sadd.s32 $0x4, s18;
	v22 =	vmul.f32 v27, v22;
	[tilespmem:s17+$0xFFFFFFC0] =	vst v26;
	v17 =	vmul.f32 v23, v17  }
0x62: {  	v10 =	vmul.f32 v23, v10;
	v24 =	vsub.f32 $1.500000000e+00, v24;
	v18 =	vld [tilespmem:s19+$0xFFFFFFC0];
	p0 =	slt.u32 s18, $0x1FC;
	[tilespmem:s17+$0xFFFFFFD0] =	vst v25;
	v23 =	vmin.f32 v19, $9.999999950e+11  }
0x63: {  	v20 =	vmul.f32 v22, v20;
	[tilespmem:s17+$0xFFFFFFE0] =	vst v17;
	v7 =	vmul.f32 v23, v7  }
0x64: {  	v12 =	vmul.f32 v23, v12;
	v17 =	vmul.f32 v24, v21;
	v19 =	vld [tilespmem:s19+$0xFFFFFFD0];
	[tilespmem:s17+$0xFFFFFFF0] =	vst v10  }
0x65: {  	v14 =	vmul.f32 v23, v14;
	v10 =	vld [tilespmem:s19+$0xFFFFFFF0];
	v20 =	vmul.f32 v20, v22;
	[tilespmem:s17+$0x10] =	vst v7  }
0x66: {  	v5 =	vmul.f32 v23, v5;
	v21 =	vmin.f32 v17, $9.999999950e+11;
	v7 =	vld [tilespmem:s19+$0x10];
	[tilespmem:s17+$0x30] =	vst v12  }
0x67: {  	v8 =	vmul.f32 v21, v8;
	v6 =	vmul.f32 v21, v6;
	v12 =	vld [tilespmem:s19+$0x30];
	v20 =	vsub.f32 $1.500000000e+00, v20;
	[tilespmem:s17+$0x20] =	vst v14  }
0x68: {  	v9 =	vmul.f32 v21, v9;
	v13 =	vmul.f32 v21, v13;
	v17 =	vld [tilespmem:s19+$0xFFFFFFE0];
	[tilespmem:s17+$0x0] =	vst v5  }
0x69: {  	v5 =	vld [tilespmem:s19+$0x0];
	v20 =	vmul.f32 v20, v22;
	[tilespmem:s17+$0x60] =	vst v6  }
0x6a: {  	v21 =	vmul.f32 v19, v19;
	v6 =	vld [tilespmem:s19+$0x60];
	[tilespmem:s17+$0x40] =	vst v8  }
0x6b: {  	v22 =	vmul.f32 v18, v18;
	v14 =	vld [tilespmem:s19+$0x20];
	v20 =	vmin.f32 v20, $9.999999950e+11  }
0x6c: {  	v23 =	vmul.f32 v7, v7;
	v8 =	vld [tilespmem:s19+$0x40];
	v15 =	vmul.f32 v20, v15;
	[tilespmem:s17+$0x50] =	vst v9  }
0x6d: {  	v21 =	vadd.f32 v21, v22;
	v11 =	vmul.f32 v20, v11;
	v22 =	vmul.f32 v17, v17;
	v9 =	vld [tilespmem:s19+$0x50];
	[tilespmem:s17+$0x70] =	vst v13  }
0x6e: {  	v4 =	vmul.f32 v20, v4;
	v24 =	vmul.f32 v5, v5;
	v13 =	vld [tilespmem:s19+$0x70];
	[tilespmem:s17+$0xFFFFFF90] =	vst v15  }
0x6f: {  	v16 =	vmul.f32 v20, v16;
	v15 =	vadd.f32 v22, v21;
	v21 =	vmul.f32 v10, v10;
	[tilespmem:s17+$0xFFFFFFA0] =	vst v11  }
0x70: {  	v11 =	vld [tilespmem:s19+$0xFFFFFFA0];
	v20 =	vadd.f32 v23, v24;
	v22 =	vmul.f32 v14, v14;
	[tilespmem:s17+$0xFFFFFF80] =	vst v4  }
0x71: {  	v23 =	vmul.f32 v12, v12;
	v4 =	vld [tilespmem:s19+$0xFFFFFF80];
	v21 =	vadd.f32 v21, v15;
	[tilespmem:s17+$0xFFFFFFB0] =	vst v16;
	s17 =	smov.u32 s19  }
0x72: {  	v15 =	vld [tilespmem:s19+$0xFFFFFF90];
	v16 =	vadd.f32 v22, v20;
	v20 =	vmul.f32 v8, v8;
	v22 =	vmul.f32 v9, v9  }
0x73: {  	v24 =	vperm.xlane v21, v0  }
0x74: {  	v23 =	vadd.f32 v23, v16;
	v16 =	vadd.f32 v22, v20;
	v20 =	vmul.f32 v6, v6  }
0x75: {  	v22 =	vmul.f32 v13, v13;
	v21 =	vadd.f32 v21, v24  }
0x76: {  	v24 =	vmul.f32 v11, v11;
	v25 =	vperm.xlane v23, v0;
	v20 =	vadd.f32 v20, v16  }
0x77: {  	v26 =	vmul.f32 v4, v4;
	v16 =	vld [tilespmem:s19+$0xFFFFFFB0];
	v27 =	vperm.xlane v21, v1  }
0x78: {  	v28 =	vmul.f32 v15, v15;
	v23 =	vadd.f32 v23, v25;
	v20 =	vadd.f32 v22, v20  }
0x79: {  	v21 =	vadd.f32 v21, v27  }
0x7a: {  	v22 =	vadd.f32 v28, v26;
	v25 =	vperm.xlane v23, v1;
	v26 =	vperm.xlane v20, v0  }
0x7b: {  	v27 =	vperm.xlane v21, v2  }
0x7c: {  	v22 =	vadd.f32 v24, v22;
	v24 =	vmul.f32 v16, v16;
	v20 =	vadd.f32 v20, v26  }
0x7d: {  	v23 =	vadd.f32 v23, v25;
	v21 =	vadd.f32 v21, v27  }
0x7e: {  	v22 =	vadd.f32 v24, v22;
	v24 =	vperm.xlane v20, v1  }
0x7f: {  	v26 =	vperm.xlane v23, v2;
	v25 =	vperm.xlane v21, v3  }
0x80: {  	v27 =	vperm.xlane v22, v0;
	v20 =	vadd.f32 v20, v24  }
0x81: {  	v23 =	vadd.f32 v23, v26;
	v21 =	vadd.f32 v21, v25  }
0x82: {  	v22 =	vadd.f32 v22, v27;
	v24 =	vperm.xlane v20, v2  }
0x83: {  	v25 =	vperm.xlane v23, v3;
	v21 =	vmax.f32 v21, $1.000000000e-30  }
0x84: {  	v26 =	vperm.xlane v22, v1;
	v27 =	vshra.s32 v21, $0x1;
	v20 =	vadd.f32 v20, v24  }
0x85: {  	v21 =	vmul.f32 $5.000000000e-01, v21;
	v23 =	vadd.f32 v23, v25  }
0x86: {  	v24 =	vsub.s32 $0x5F3759DF, v27;
	v25 =	vperm.xlane v20, v3  }
0x87: {  	v22 =	vadd.f32 v22, v26;
	v26 =	vmul.f32 v24, v21;
	v23 =	vmax.f32 v23, $1.000000000e-30  }
0x88: {  	v27 =	vshra.s32 v23, $0x1;
	v23 =	vmul.f32 $5.000000000e-01, v23;
	v20 =	vadd.f32 v20, v25  }
0x89: {  	v25 =	vperm.xlane v22, v2;
	v26 =	vmul.f32 v24, v26;
	v27 =	vsub.s32 $0x5F3759DF, v27  }
0x8a: {  	v28 =	vmul.f32 v27, v23;
	v20 =	vmax.f32 v20, $1.000000000e-30  }
0x8b: {  	v22 =	vadd.f32 v22, v25;
	v25 =	vsub.f32 $1.500000000e+00, v26;
	v26 =	vshra.s32 v20, $0x1  }
0x8c: {  	v28 =	vmul.f32 v27, v28;
	v29 =	vmul.f32 $5.000000000e-01, v20;
	v26 =	vsub.s32 $0x5F3759DF, v26  }
0x8d: {  	v20 =	vperm.xlane v22, v3;
	v24 =	vmul.f32 v24, v25  }
0x8e: {  	v25 =	vsub.f32 $1.500000000e+00, v28;
	v28 =	vmul.f32 v26, v29  }
0x8f: {  	v20 =	vadd.f32 v22, v20;
	v22 =	vmul.f32 v24, v21  }
0x90: {  	v25 =	vmul.f32 v27, v25;
	v27 =	vmul.f32 v26, v28  }
0x91: {  	v20 =	vmax.f32 v20, $1.000000000e-30;
	v22 =	vmul.f32 v22, v24  }
0x92: {  	v28 =	vshra.s32 v20, $0x1;
	v20 =	vmul.f32 $5.000000000e-01, v20;
	v27 =	vsub.f32 $1.500000000e+00, v27  }
0x93: {  	v30 =	vmul.f32 v25, v23;
	v28 =	vsub.s32 $0x5F3759DF, v28;
	v22 =	vsub.f32 $1.500000000e+00, v22  }
0x94: {  	v31 =	vmul.f32 v28, v20;
	v26 =	vmul.f32 v26, v27  }
0x95: {  	v24 =	vmul.f32 v22, v24;
	v22 =	vmul.f32 v30, v25  }
0x96: {  	v27 =	vmul.f32 v28, v31;
	v30 =	vmul.f32 v26, v29  }
0x97: {  	v21 =	vmul.f32 v24, v21;
	v22 =	vsub.f32 $1.500000000e+00, v22  }
0x98: {  	v27 =	vsub.f32 $1.500000000e+00, v27;
	v30 =	vmul.f32 v30, v26  }
0x99: {  	v21 =	vmul.f32 v21, v24;
	v31 =	vmul.f32 v22, v25  }
0x9a: {  	v22 =	vmul.f32 v28, v27;
	v25 =	vsub.f32 $1.500000000e+00, v30  }
0x9b: {  	v27 =	vsub.f32 $1.500000000e+00, v21;
	v23 =	vmul.f32 v31, v23  }
0x9c: {  	v28 =	vmul.f32 v22, v20;
	v21 =	vmul.f32 v25, v26  }
.Ltmp0:
0x9d: {  	v24 =	vmul.f32 v27, v24;
	v25 =	vmul.f32 v23, v31;
	(pc) =	sbr.rel @p0 .LBB2_2-.Ltmp0, $4  }
0x9e: {  	v26 =	vmul.f32 v28, v22;
	v28 =	vmul.f32 v21, v29  }
0x9f: {  	v23 =	vmin.f32 v24, $9.999999950e+11;
	v29 =	vsub.f32 $1.500000000e+00, v25  }
0xa0: {  	v27 =	vsub.f32 $1.500000000e+00, v26;
	v26 =	vmul.f32 v23, v18;
	v24 =	vmul.f32 v28, v21  }
0xa1: {  	s19 =	sadd.s32 $0x100, s19;
	v25 =	vmul.f32 v23, v19;
	v19 =	vmul.f32 v29, v31  }
0xa2: {  	v18 =	vmul.f32 v27, v22  }
0xa3: {  	[tilespmem:s17+$0xFFFFFFC0] =	vst v26;
	v17 =	vmul.f32 v23, v17;
	v10 =	vmul.f32 v23, v10  }
0xa4: {  	v54 =	vsub.f32 $1.500000000e+00, v24;
	[tilespmem:s17+$0xFFFFFFD0] =	vst v25;
	v19 =	vmin.f32 v19, $9.999999950e+11;
	v20 =	vmul.f32 v18, v20  }
0xa5: {  	[tilespmem:s17+$0xFFFFFFE0] =	vst v17;
	v7 =	vmul.f32 v19, v7;
	v12 =	vmul.f32 v19, v12  }
0xa6: {  	[tilespmem:s17+$0xFFFFFFF0] =	vst v10;
	v55 =	vmul.f32 v54, v21;
	v56 =	vmul.f32 v20, v18  }
0xa7: {  	v57 =	vmul.f32 v19, v14;
	[tilespmem:s17+$0x10] =	vst v7  }
0xa8: {  	v5 =	vmul.f32 v19, v5;
	[tilespmem:s17+$0x30] =	vst v12;
	v10 =	vmin.f32 v55, $9.999999950e+11;
	v58 =	vsub.f32 $1.500000000e+00, v56  }
0xa9: {  	[tilespmem:s17+$0x20] =	vst v57;
	v6 =	vmul.f32 v10, v6  }
0xaa: {  	[tilespmem:s17+$0x0] =	vst v5;
	v59 =	vmul.f32 v10, v8;
	v5 =	vmul.f32 v58, v18  }
0xab: {  	v60 =	vmul.f32 v10, v9;
	[tilespmem:s17+$0x60] =	vst v6  }
0xac: {  	v61 =	vmul.f32 v10, v13;
	[tilespmem:s17+$0x40] =	vst v59;
	v5 =	vmin.f32 v5, $9.999999950e+11  }
0xad: {  	[tilespmem:s17+$0x50] =	vst v60;
	v62 =	vmul.f32 v5, v15  }
0xae: {  	[tilespmem:s17+$0x70] =	vst v61;
	v63 =	vmul.f32 v5, v11  }
0xaf: {  	v4 =	vmul.f32 v5, v4;
	[tilespmem:s17+$0xFFFFFF90] =	vst v62  }
0xb0: {  	s16 =	sadd.s32 $0x1, s16;
	v5 =	vmul.f32 v5, v16;
	[tilespmem:s17+$0xFFFFFFA0] =	vst v63  }
0xb1: {  	p0 =	sne.s32 s16, s6;
	[tilespmem:s17+$0xFFFFFF80] =	vst v4  }
.Ltmp1:
0xb2: {  	[tilespmem:s17+$0xFFFFFFB0] =	vst v5;
	(pc) =	sbr.rel @p0 .LBB2_1-.Ltmp1, $4  }
0xb3: {  	[hbm4b:s5+s1] =	stream.linear.scatter [tilespmem:s9], [sflag:$0x2], $0x8000, $0x38;
	[tilespmem:$0x8200] =	vst v63  }
0xb4: {  	_ =	swait.ge [sflag:s7], $0x8000  }
0xb5: {  	[sflag:s7] =	ssyncset.done $0x0  }
0xb6: {  	[sflag:s7] =	ssyncadd.s32 $0xFFFF8000  }
0xb7: {  	_ =	sfence.sel $0x180000  }
0xb8: {  	[bflag:$0x0] =	sbarrier.arrive $0xFFFF  }
0xb9: {  	p0 =	sne.s32 s0, $0x0;
	_ =	strace $0x90000047  }
0xba: {  	s0 =	sadd.s32 @!p0 $0x100000, s2;
	[bflag:$0x2] =	sbarrier.arrive $0xFFFF  }
0xbb: {  	[sflag:s0] =	ssyncadd.tile.s32 @!p0 $0x1;
	_ =	shalt  }
.Lfunc_end2:
_tile_overlayer_lowered:
.L_overlay_start_2:
0xbc: {  	(tag) =	ssettag $0x2  }
0xbd: {  	s0 =	rddreg [dreg:$0x0];
	s2 =	stileid.u32  }
0xbe: {  	s1 =	rddreg [dreg:$0x1];
	p0 =	sne.s32 s2, $0x0  }
0xbf: {  	s3 =	rddreg [dreg:$0x2];
	[bflag:$0x3] =	sbarrier.arrive $0xFFFF;
	s2 =	simm.s32 @!p0 $0x1C02  }
0xc0: {  	[timem:s3], [sflag:s2] =	dma.local @!p0 [hbm:s0], s1  }
0xc1: {  	s0 =	simm.s32 @!p0 $0x2  }
0xc2: {  	_ =	swait.ge @!p0 [sflag:s0], s1  }
0xc3: {  	s1 =	ssub.s32 @!p0 $0x0, s1;
	[sflag:s0] =	ssyncset.done @!p0 $0x0  }
0xc4: {  	[sflag:s0] =	ssyncadd.s32 @!p0 s1  }
0xc5: {  	[bflag:$0x3] =	sbarrier.arrive $0xFFFF  }
0xc6: {  	_ =	shalt  }

</sc_bundles>
